<compile_context>
chip_gen: v7x
topology: tpu7x:2x2x1
jax: 0.10.2.dev20260603
libtpu: 0.0.44.dev20260713+nightly
codegen_flags: <defaults>
</compile_context>

<pallas_src>
import functools

import jax
import jax.numpy as jnp
from jax import lax
from jax.experimental import pallas as pl
from jax.experimental.pallas import tpu as pltpu
from jax.experimental.pallas import tpu_sc as plsc

_NUM_EXPERTS = 16
_TOP_K = 2
_N_TOKENS = 16384
_S = _N_TOKENS * _TOP_K
_LANES = 16
_NW = 32
_PER_TILE = _S // _NW
_PER_LANE = _PER_TILE // _LANES
_PER_SC_SLICE = _S // _LANES

_SC_PARAMS = pltpu.CompilerParams(needs_layout_passes=False)


def _mesh():
    return plsc.VectorSubcoreMesh(core_axis_name="c", subcore_axis_name="s")


def _hist_body(x_ref, tb_ref, cnt_ref, rs_ref):
    x = x_ref[...]
    rw = lax.broadcasted_iota(jnp.int32, (_NW, 256), 0)
    cr = lax.broadcasted_iota(jnp.int32, (_NW, 256), 1)
    wmat = (lax.shift_right_logical(cr, 3) == rw).astype(jnp.float32)
    for e in range(_NUM_EXPERTS):
        m = (x == e).astype(jnp.float32)
        rs = jnp.sum(m, axis=1, keepdims=True)
        rs_ref[:, e:e + 1] = jnp.dot(wmat, rs,
                                     preferred_element_type=jnp.float32)
    ht = rs_ref[...]

    total = jnp.sum(ht, axis=0, keepdims=True)
    cnt_ref[...] = total

    ru = lax.broadcasted_iota(jnp.int32, (_NUM_EXPERTS, _NUM_EXPERTS), 0)
    cu = lax.broadcasted_iota(jnp.int32, (_NUM_EXPERTS, _NUM_EXPERTS), 1)
    upper = (ru < cu).astype(jnp.float32)
    g = jnp.dot(total, upper, preferred_element_type=jnp.float32,
                precision=lax.Precision.HIGHEST)

    rl = lax.broadcasted_iota(jnp.int32, (_NW, _NW), 0)
    cl = lax.broadcasted_iota(jnp.int32, (_NW, _NW), 1)
    lower = (cl < rl).astype(jnp.float32)
    tb = jnp.dot(lower, ht, preferred_element_type=jnp.float32,
                 precision=lax.Precision.HIGHEST) + g
    tb_ref[:, 0:_NUM_EXPERTS] = tb


_hist = pl.pallas_call(
    _hist_body,
    out_shape=(
        jax.ShapeDtypeStruct((_NW, 128), jnp.float32),
        jax.ShapeDtypeStruct((1, _NUM_EXPERTS), jnp.float32),
    ),
    scratch_shapes=[pltpu.VMEM((_NW, _NUM_EXPERTS), jnp.float32)],
)


@functools.partial(
    pl.kernel,
    out_type=(
        jax.ShapeDtypeStruct((_S,), jnp.float32),
        jax.ShapeDtypeStruct((_S,), jnp.int32),
        jax.ShapeDtypeStruct((_S,), jnp.float32),
        jax.ShapeDtypeStruct((_S,), jnp.int32),
    ),
    mesh=_mesh(),
    compiler_params=_SC_PARAMS,
    scratch_types=[
        pltpu.VMEM((_PER_TILE,), jnp.int32),
        pltpu.VMEM((_PER_TILE,), jnp.float32),
        pltpu.VMEM((_PER_TILE,), jnp.int32),
        pltpu.VMEM((8, 128), jnp.int32),
        pltpu.VMEM((_LANES * _NUM_EXPERTS,), jnp.int32),
        pltpu.VMEM((_NUM_EXPERTS,), jnp.float32),
        pltpu.VMEM((_PER_SC_SLICE // 4,), jnp.float32),
        pltpu.VMEM((_PER_SC_SLICE // 4,), jnp.int32),
        pltpu.VMEM_SHARED((_S,), jnp.float32),
        pltpu.VMEM_SHARED((_S,), jnp.int32),
        pltpu.SemaphoreType.DMA,
        pltpu.SemaphoreType.DMA,
        pltpu.SemaphoreType.DMA,
        pltpu.SemaphoreType.DMA,
    ],
)
def _reorder(sel_hbm, sc_hbm, tb_hbm,
             pa_sc, pa_tok, pb_sc, pb_tok,
             sel_v, sc_v, tok_v, pos_v, cnt_v, tbrow_v,
             zf_v, zi_v, sp_sc, sp_tok, sem, sem_z, sem_in, sem_sc):
    c = lax.axis_index("c")
    s = lax.axis_index("s")
    w = c * _LANES + s
    base = w * _PER_TILE

    lane = jnp.arange(_LANES, dtype=jnp.int32)
    lane16 = lane * _NUM_EXPERTS
    zf = jnp.zeros((_LANES,), jnp.float32)
    zi = jnp.zeros((_LANES,), jnp.int32)

    d_sel = pltpu.async_copy(sel_hbm.at[pl.ds(base, _PER_TILE)], sel_v, sem_in)
    d_tb = pltpu.async_copy(tb_hbm.at[pl.ds(w * 128, _NUM_EXPERTS)],
                            tbrow_v, sem_in)
    d_sc = pltpu.async_copy(sc_hbm.at[pl.ds(base, _PER_TILE)], sc_v, sem_sc)

    _ZCH = _PER_SC_SLICE // 4

    def zero_body(j, carry):
        zf_v[pl.ds(j * _LANES, _LANES)] = zf
        zi_v[pl.ds(j * _LANES, _LANES)] = zi
        return carry

    lax.fori_loop(0, _ZCH // _LANES, zero_body, 0)
    zdescs = []
    for q in range(4):
        zsl = pl.ds(s * _PER_SC_SLICE + q * _ZCH, _ZCH)
        zdescs.append(pltpu.async_copy(zf_v, sp_sc.at[zsl], sem_z))
        zdescs.append(pltpu.async_copy(zi_v, sp_tok.at[zsl], sem_z))
    sl = pl.ds(s * _PER_SC_SLICE, _PER_SC_SLICE)

    d_sel.wait()
    d_tb.wait()

    def addrmap(i):
        return (
            lax.bitwise_and(i, jnp.int32(~255))
            | lax.shift_left(lax.bitwise_and(i, 1), 7)
            | lax.shift_right_logical(lax.bitwise_and(i, 255), 1)
        )

    for l in range(_LANES):
        cnt_v[pl.ds(l * _NUM_EXPERTS, _NUM_EXPERTS)] = zi

    def hist_body(t, carry):
        ad = addrmap(lane * _PER_LANE + t)
        e = plsc.load_gather(sel_v, [ad])
        a = lane16 + e
        cc = plsc.load_gather(cnt_v, [a])
        plsc.store_scatter(cnt_v, [a], cc + 1)
        al = t * _LANES + lane
        inv = (
            lax.bitwise_and(al, jnp.int32(~255))
            | lax.shift_left(lax.bitwise_and(al, 127), 1)
            | lax.bitwise_and(lax.shift_right_logical(al, 7), 1)
        )
        tok_v[pl.ds(t * _LANES, _LANES)] = lax.shift_right_logical(
            base + inv, 1)
        return carry

    lax.fori_loop(0, _PER_LANE, hist_body, 0)

    run = tbrow_v[...].astype(jnp.int32)
    for l in range(_LANES):
        csl = pl.ds(l * _NUM_EXPERTS, _NUM_EXPERTS)
        hl = cnt_v[csl]
        cnt_v[csl] = run
        run = run + hl

    def body(u, carry):
        for d in range(2):
            t = u * 2 + d
            ad = addrmap(lane * _PER_LANE + t)
            e = plsc.load_gather(sel_v, [ad])
            a = lane16 + e
            cc = plsc.load_gather(cnt_v, [a])
            plsc.store_scatter(cnt_v, [a], cc + 1)
            plsc.store_scatter(
                pos_v,
                [lax.shift_right_logical(ad, 7), lax.bitwise_and(ad, 127)],
                cc,
            )
        return carry

    lax.fori_loop(0, _PER_LANE // 2, body, 0)

    for d in zdescs:
        d.wait()
    d_sc.wait()
    plsc.subcore_barrier()

    descs = []
    for j in range(8):
        pj = pos_v.at[j]
        descs.append(pltpu.async_copy(
            sc_v.at[pl.ds(j * 128, 128)], sp_sc.at[pj], sem, add=True))
        descs.append(pltpu.async_copy(
            tok_v.at[pl.ds(j * 128, 128)], sp_tok.at[pj], sem, add=True))
    for d in descs:
        d.wait()

    plsc.subcore_barrier()

    @pl.when(c == 0)
    def _():
        o1 = pltpu.async_copy(sp_sc.at[sl], pa_sc.at[sl], sem_in)
        o2 = pltpu.async_copy(sp_tok.at[sl], pa_tok.at[sl], sem_sc)
        o1.wait()
        o2.wait()

    @pl.when(c == 1)
    def _():
        o1 = pltpu.async_copy(sp_sc.at[sl], pb_sc.at[sl], sem_in)
        o2 = pltpu.async_copy(sp_tok.at[sl], pb_tok.at[sl], sem_sc)
        o1.wait()
        o2.wait()


def _merge_body(pa_sc, pb_sc, pa_tok, pb_tok, out_sc, out_tok):
    out_sc[...] = pa_sc[...] + pb_sc[...]
    out_tok[...] = pa_tok[...] + pb_tok[...]


_merge = pl.pallas_call(
    _merge_body,
    out_shape=(
        jax.ShapeDtypeStruct((_S // 128, 128), jnp.float32),
        jax.ShapeDtypeStruct((_S // 128, 128), jnp.int32),
    ),
)


def kernel(top_scores, selected_experts_indices):
    sel_lin = jnp.transpose(
        selected_experts_indices.astype(jnp.int32).reshape(128, 128, _TOP_K),
        (0, 2, 1)).reshape(_S)
    sc_lin = jnp.transpose(
        top_scores.reshape(128, 128, _TOP_K), (0, 2, 1)).reshape(_S)

    tb4, cnt = _hist(sel_lin.reshape(256, 128))
    tb_lin = tb4.reshape(-1)

    pa_sc, pa_tok, pb_sc, pb_tok = _reorder(sel_lin, sc_lin, tb_lin)

    out_sc, out_tok = _merge(
        pa_sc.reshape(_S // 128, 128), pb_sc.reshape(_S // 128, 128),
        pa_tok.reshape(_S // 128, 128), pb_tok.reshape(_S // 128, 128))

    return out_sc.reshape(-1), out_tok.reshape(-1), cnt.reshape(-1)

# --- scband reference (transcript-rebuilt; emitter-appended) ---
"""Pipeline reference for scband-token-reorderer-28252294873409 (READ-ONLY COPY).

The authoritative reference and input builder live on the scoring server;
editing this copy changes nothing except your own understanding.
"""

import jax, jax.numpy as jnp
import numpy as np

NUM_EXPERTS = 16
TOP_K = 2
N_TOKENS = 16384


def setup_inputs(seed: int = 0) -> dict:
    key = jax.random.key(seed)
    k1, k2 = jax.random.split(key)
    top_scores = jax.random.uniform(k1, (N_TOKENS, TOP_K), dtype=jnp.float32)
    selected_experts_indices = jax.random.randint(k2, (N_TOKENS, TOP_K), 0, NUM_EXPERTS, dtype=jnp.int64 if jax.config.jax_enable_x64 else jnp.int32)
    return {"top_scores": top_scores, "selected_experts_indices": selected_experts_indices}


def reference(top_scores, selected_experts_indices):
    # Flatten expert selections: (N_TOKENS * TOP_K,)
    sel = selected_experts_indices.reshape(-1)
    # torch.histc(sel, bins=E, min=0, max=E) on integer values in [0, E-1] == bincount
    num_tokens_per_expert = jnp.bincount(sel, length=NUM_EXPERTS).astype(jnp.float32)
    # stable argsort by expert id
    token_indices_experts_sorted = jnp.argsort(sel, stable=True)
    # gather scores in expert-sorted order
    top_scores_experts_sorted = top_scores.reshape(-1)[token_indices_experts_sorted]
    # map flat (token, k) slot back to token index
    token_indices_experts_sorted = token_indices_experts_sorted // TOP_K
    return (top_scores_experts_sorted, token_indices_experts_sorted, num_tokens_per_expert)

if __name__ == "__main__":
    import jax
    _d = setup_inputs()
    print(jax.jit(kernel)(*tuple(_d.values())))

</pallas_src>

<mosaic_0001>
#map = affine_map<(d0, d1) -> (0)>
module attributes {stable_mosaic.version = 14 : i64} {
  func.func @_reorder(%arg0: i32, %arg1: i32, %arg2: memref<32768xi32, #tpu.memory_space<hbm>>, %arg3: memref<32768xf32, #tpu.memory_space<hbm>>, %arg4: memref<4096xf32, #tpu.memory_space<hbm>>, %arg5: memref<32768xf32, #tpu.memory_space<hbm>>, %arg6: memref<32768xi32, #tpu.memory_space<hbm>>, %arg7: memref<32768xf32, #tpu.memory_space<hbm>>, %arg8: memref<32768xi32, #tpu.memory_space<hbm>>, %arg9: memref<1024xi32, #tpu.memory_space<vmem>>, %arg10: memref<1024xf32, #tpu.memory_space<vmem>>, %arg11: memref<1024xi32, #tpu.memory_space<vmem>>, %arg12: memref<8x128xi32, #tpu.memory_space<vmem>>, %arg13: memref<256xi32, #tpu.memory_space<vmem>>, %arg14: memref<16xf32, #tpu.memory_space<vmem>>, %arg15: memref<512xf32, #tpu.memory_space<vmem>>, %arg16: memref<512xi32, #tpu.memory_space<vmem>>, %arg17: memref<32768xf32, #tpu.memory_space<vmem_shared>>, %arg18: memref<32768xi32, #tpu.memory_space<vmem_shared>>, %arg19: memref<!tpu.dma_semaphore, #tpu.memory_space<semaphore_mem>>, %arg20: memref<!tpu.dma_semaphore, #tpu.memory_space<semaphore_mem>>, %arg21: memref<!tpu.dma_semaphore, #tpu.memory_space<semaphore_mem>>, %arg22: memref<!tpu.dma_semaphore, #tpu.memory_space<semaphore_mem>>) attributes {dimension_semantics = [#tpu.dimension_semantics<core_parallel>, #tpu.dimension_semantics<subcore_parallel>], iteration_bounds = array<i64: 2, 16>, scalar_prefetch = 0 : i64, scratch_operands = 14 : i64, tpu.core_type = #tpu.core_type<sc_vector_subcore>, window_params = [{transform_indices = #map}, {transform_indices = #map}, {transform_indices = #map}, {transform_indices = #map}, {transform_indices = #map}, {transform_indices = #map}, {transform_indices = #map}]} {
    %mul3A = arith.constant 16 : i32
    %mul3A_0 = arith.muli %arg0, %mul3A : i32
    %add3A = arith.addi %mul3A_0, %arg1 : i32
    %mul3A_1 = arith.constant 1024 : i32
    %mul3A_2 = arith.muli %add3A, %mul3A_1 : i32
    %iota3A = tpu.iota {dimensions = array<i32: 0>} : vector<16xi32>
    %mul3A_3 = arith.constant 16 : i32
    %mul3A_4 = vector.broadcast %mul3A_3 : i32 to vector<16xi32>
    %mul3A_5 = arith.muli %iota3A, %mul3A_4 : vector<16xi32>
    %broadcast_in_dim3A = arith.constant 0.000000e+00 : f32
    %broadcast_in_dim3A_6 = vector.broadcast %broadcast_in_dim3A : f32 to vector<16xf32>
    %broadcast_in_dim3A_7 = arith.constant 0 : i32
    %broadcast_in_dim3A_8 = vector.broadcast %broadcast_in_dim3A_7 : i32 to vector<16xi32>
    %dma_start3A = tpu.memref_slice %arg2[%mul3A_2] : memref<32768xi32, #tpu.memory_space<hbm>> -> memref<1024xi32, #tpu.memory_space<hbm>>
    %dma_start3A_9 = tpu.memref_slice %arg2[%mul3A_2] : memref<32768xi32, #tpu.memory_space<hbm>> -> memref<1024xi32, #tpu.memory_space<hbm>>
    tpu.enqueue_dma source(%dma_start3A_9 : memref<1024xi32, #tpu.memory_space<hbm>>) target(%arg9 : memref<1024xi32, #tpu.memory_space<vmem>>) target_semaphore(%arg21 : memref<!tpu.dma_semaphore, #tpu.memory_space<semaphore_mem>>)
    %mul3A_10 = arith.constant 128 : i32
    %mul3A_11 = arith.muli %add3A, %mul3A_10 : i32
    %dma_start3A_12 = tpu.memref_slice %arg4[%mul3A_11] : memref<4096xf32, #tpu.memory_space<hbm>> -> memref<16xf32, #tpu.memory_space<hbm>>
    %dma_start3A_13 = tpu.memref_slice %arg4[%mul3A_11] : memref<4096xf32, #tpu.memory_space<hbm>> -> memref<16xf32, #tpu.memory_space<hbm>>
    tpu.enqueue_dma source(%dma_start3A_13 : memref<16xf32, #tpu.memory_space<hbm>>) target(%arg14 : memref<16xf32, #tpu.memory_space<vmem>>) target_semaphore(%arg21 : memref<!tpu.dma_semaphore, #tpu.memory_space<semaphore_mem>>)
    %dma_start3A_14 = tpu.memref_slice %arg3[%mul3A_2] : memref<32768xf32, #tpu.memory_space<hbm>> -> memref<1024xf32, #tpu.memory_space<hbm>>
    %dma_start3A_15 = tpu.memref_slice %arg3[%mul3A_2] : memref<32768xf32, #tpu.memory_space<hbm>> -> memref<1024xf32, #tpu.memory_space<hbm>>
    tpu.enqueue_dma source(%dma_start3A_15 : memref<1024xf32, #tpu.memory_space<hbm>>) target(%arg10 : memref<1024xf32, #tpu.memory_space<vmem>>) target_semaphore(%arg22 : memref<!tpu.dma_semaphore, #tpu.memory_space<semaphore_mem>>)
    %scan3A = arith.constant 0 : i32
    %scan3A_16 = arith.constant 0 : i32
    %scan3A_17 = arith.constant 32 : i32
    %scan3A_18 = arith.addi %scan3A_16, %scan3A_17 : i32
    %scan3A_19 = arith.constant 1 : i32
    scf.for %scan3A_465 = %scan3A_16 to %scan3A_18 step %scan3A_19  : i32 {
      %mul3A_466 = arith.constant 16 : i32
      %mul3A_467 = arith.muli %scan3A_465, %mul3A_466 : i32
      %swap3A_468 = arith.index_cast %mul3A_467 : i32 to index
      %swap3A_469 = tpu.vector_load %arg15[%swap3A_468] {strides = array<i32>} : memref<512xf32, #tpu.memory_space<vmem>>, vector<16xf32>,
      tpu.vector_store %arg15[%swap3A_468], %broadcast_in_dim3A_6 {strides = array<i32>} : memref<512xf32, #tpu.memory_space<vmem>>, vector<16xf32>,
      %mul3A_470 = arith.constant 16 : i32
      %mul3A_471 = arith.muli %scan3A_465, %mul3A_470 : i32
      %swap3A_472 = arith.index_cast %mul3A_471 : i32 to index
      %swap3A_473 = tpu.vector_load %arg16[%swap3A_472] {strides = array<i32>} : memref<512xi32, #tpu.memory_space<vmem>>, vector<16xi32>,
      tpu.vector_store %arg16[%swap3A_472], %broadcast_in_dim3A_8 {strides = array<i32>} : memref<512xi32, #tpu.memory_space<vmem>>, vector<16xi32>,
    }
    %scan3A_20 = arith.constant 32 : i32
    %mul3A_21 = arith.constant 2048 : i32
    %mul3A_22 = arith.muli %arg1, %mul3A_21 : i32
    %add3A_23 = arith.constant 0 : i32
    %add3A_24 = arith.addi %mul3A_22, %add3A_23 : i32
    %dma_start3A_25 = tpu.memref_slice %arg17[%add3A_24] : memref<32768xf32, #tpu.memory_space<vmem_shared>> -> memref<512xf32, #tpu.memory_space<vmem_shared>>
    %dma_start3A_26 = tpu.memref_slice %arg17[%add3A_24] : memref<32768xf32, #tpu.memory_space<vmem_shared>> -> memref<512xf32, #tpu.memory_space<vmem_shared>>
    tpu.enqueue_dma source(%arg15 : memref<512xf32, #tpu.memory_space<vmem>>) target(%dma_start3A_26 : memref<512xf32, #tpu.memory_space<vmem_shared>>) target_semaphore(%arg20 : memref<!tpu.dma_semaphore, #tpu.memory_space<semaphore_mem>>)
    %dma_start3A_27 = tpu.memref_slice %arg18[%add3A_24] : memref<32768xi32, #tpu.memory_space<vmem_shared>> -> memref<512xi32, #tpu.memory_space<vmem_shared>>
    %dma_start3A_28 = tpu.memref_slice %arg18[%add3A_24] : memref<32768xi32, #tpu.memory_space<vmem_shared>> -> memref<512xi32, #tpu.memory_space<vmem_shared>>
    tpu.enqueue_dma source(%arg16 : memref<512xi32, #tpu.memory_space<vmem>>) target(%dma_start3A_28 : memref<512xi32, #tpu.memory_space<vmem_shared>>) target_semaphore(%arg20 : memref<!tpu.dma_semaphore, #tpu.memory_space<semaphore_mem>>)
    %mul3A_29 = arith.constant 2048 : i32
    %mul3A_30 = arith.muli %arg1, %mul3A_29 : i32
    %add3A_31 = arith.constant 512 : i32
    %add3A_32 = arith.addi %mul3A_30, %add3A_31 : i32
    %dma_start3A_33 = tpu.memref_slice %arg17[%add3A_32] : memref<32768xf32, #tpu.memory_space<vmem_shared>> -> memref<512xf32, #tpu.memory_space<vmem_shared>>
    %dma_start3A_34 = tpu.memref_slice %arg17[%add3A_32] : memref<32768xf32, #tpu.memory_space<vmem_shared>> -> memref<512xf32, #tpu.memory_space<vmem_shared>>
    tpu.enqueue_dma source(%arg15 : memref<512xf32, #tpu.memory_space<vmem>>) target(%dma_start3A_34 : memref<512xf32, #tpu.memory_space<vmem_shared>>) target_semaphore(%arg20 : memref<!tpu.dma_semaphore, #tpu.memory_space<semaphore_mem>>)
    %dma_start3A_35 = tpu.memref_slice %arg18[%add3A_32] : memref<32768xi32, #tpu.memory_space<vmem_shared>> -> memref<512xi32, #tpu.memory_space<vmem_shared>>
    %dma_start3A_36 = tpu.memref_slice %arg18[%add3A_32] : memref<32768xi32, #tpu.memory_space<vmem_shared>> -> memref<512xi32, #tpu.memory_space<vmem_shared>>
    tpu.enqueue_dma source(%arg16 : memref<512xi32, #tpu.memory_space<vmem>>) target(%dma_start3A_36 : memref<512xi32, #tpu.memory_space<vmem_shared>>) target_semaphore(%arg20 : memref<!tpu.dma_semaphore, #tpu.memory_space<semaphore_mem>>)
    %mul3A_37 = arith.constant 2048 : i32
    %mul3A_38 = arith.muli %arg1, %mul3A_37 : i32
    %add3A_39 = arith.constant 1024 : i32
    %add3A_40 = arith.addi %mul3A_38, %add3A_39 : i32
    %dma_start3A_41 = tpu.memref_slice %arg17[%add3A_40] : memref<32768xf32, #tpu.memory_space<vmem_shared>> -> memref<512xf32, #tpu.memory_space<vmem_shared>>
    %dma_start3A_42 = tpu.memref_slice %arg17[%add3A_40] : memref<32768xf32, #tpu.memory_space<vmem_shared>> -> memref<512xf32, #tpu.memory_space<vmem_shared>>
    tpu.enqueue_dma source(%arg15 : memref<512xf32, #tpu.memory_space<vmem>>) target(%dma_start3A_42 : memref<512xf32, #tpu.memory_space<vmem_shared>>) target_semaphore(%arg20 : memref<!tpu.dma_semaphore, #tpu.memory_space<semaphore_mem>>)
    %dma_start3A_43 = tpu.memref_slice %arg18[%add3A_40] : memref<32768xi32, #tpu.memory_space<vmem_shared>> -> memref<512xi32, #tpu.memory_space<vmem_shared>>
    %dma_start3A_44 = tpu.memref_slice %arg18[%add3A_40] : memref<32768xi32, #tpu.memory_space<vmem_shared>> -> memref<512xi32, #tpu.memory_space<vmem_shared>>
    tpu.enqueue_dma source(%arg16 : memref<512xi32, #tpu.memory_space<vmem>>) target(%dma_start3A_44 : memref<512xi32, #tpu.memory_space<vmem_shared>>) target_semaphore(%arg20 : memref<!tpu.dma_semaphore, #tpu.memory_space<semaphore_mem>>)
    %mul3A_45 = arith.constant 2048 : i32
    %mul3A_46 = arith.muli %arg1, %mul3A_45 : i32
    %add3A_47 = arith.constant 1536 : i32
    %add3A_48 = arith.addi %mul3A_46, %add3A_47 : i32
    %dma_start3A_49 = tpu.memref_slice %arg17[%add3A_48] : memref<32768xf32, #tpu.memory_space<vmem_shared>> -> memref<512xf32, #tpu.memory_space<vmem_shared>>
    %dma_start3A_50 = tpu.memref_slice %arg17[%add3A_48] : memref<32768xf32, #tpu.memory_space<vmem_shared>> -> memref<512xf32, #tpu.memory_space<vmem_shared>>
    tpu.enqueue_dma source(%arg15 : memref<512xf32, #tpu.memory_space<vmem>>) target(%dma_start3A_50 : memref<512xf32, #tpu.memory_space<vmem_shared>>) target_semaphore(%arg20 : memref<!tpu.dma_semaphore, #tpu.memory_space<semaphore_mem>>)
    %dma_start3A_51 = tpu.memref_slice %arg18[%add3A_48] : memref<32768xi32, #tpu.memory_space<vmem_shared>> -> memref<512xi32, #tpu.memory_space<vmem_shared>>
    %dma_start3A_52 = tpu.memref_slice %arg18[%add3A_48] : memref<32768xi32, #tpu.memory_space<vmem_shared>> -> memref<512xi32, #tpu.memory_space<vmem_shared>>
    tpu.enqueue_dma source(%arg16 : memref<512xi32, #tpu.memory_space<vmem>>) target(%dma_start3A_52 : memref<512xi32, #tpu.memory_space<vmem_shared>>) target_semaphore(%arg20 : memref<!tpu.dma_semaphore, #tpu.memory_space<semaphore_mem>>)
    %mul3A_53 = arith.constant 2048 : i32
    %mul3A_54 = arith.muli %arg1, %mul3A_53 : i32
    %dma_wait3A = tpu.memref_slice %arg2[%mul3A_2] : memref<32768xi32, #tpu.memory_space<hbm>> -> memref<1024xi32, #tpu.memory_space<hbm>>
    %dma_wait3A_55 = tpu.memref_slice %arg2[%mul3A_2] : memref<32768xi32, #tpu.memory_space<hbm>> -> memref<1024xi32, #tpu.memory_space<hbm>>
    tpu.wait_dma2 semaphore(%arg21 : memref<!tpu.dma_semaphore, #tpu.memory_space<semaphore_mem>>) src(%dma_wait3A_55 : memref<1024xi32, #tpu.memory_space<hbm>>) dst(%arg9 : memref<1024xi32, #tpu.memory_space<vmem>>)
    %dma_wait3A_56 = tpu.memref_slice %arg4[%mul3A_11] : memref<4096xf32, #tpu.memory_space<hbm>> -> memref<16xf32, #tpu.memory_space<hbm>>
    %dma_wait3A_57 = tpu.memref_slice %arg4[%mul3A_11] : memref<4096xf32, #tpu.memory_space<hbm>> -> memref<16xf32, #tpu.memory_space<hbm>>
    tpu.wait_dma2 semaphore(%arg21 : memref<!tpu.dma_semaphore, #tpu.memory_space<semaphore_mem>>) src(%dma_wait3A_57 : memref<16xf32, #tpu.memory_space<hbm>>) dst(%arg14 : memref<16xf32, #tpu.memory_space<vmem>>)
    %swap3A = arith.constant 0 : index
    %swap3A_58 = tpu.vector_load %arg13[%swap3A] {strides = array<i32>} : memref<256xi32, #tpu.memory_space<vmem>>, vector<16xi32>,
    tpu.vector_store %arg13[%swap3A], %broadcast_in_dim3A_8 {strides = array<i32>} : memref<256xi32, #tpu.memory_space<vmem>>, vector<16xi32>,
    %swap3A_59 = arith.constant 16 : index
    %swap3A_60 = tpu.vector_load %arg13[%swap3A_59] {strides = array<i32>} : memref<256xi32, #tpu.memory_space<vmem>>, vector<16xi32>,
    tpu.vector_store %arg13[%swap3A_59], %broadcast_in_dim3A_8 {strides = array<i32>} : memref<256xi32, #tpu.memory_space<vmem>>, vector<16xi32>,
    %swap3A_61 = arith.constant 32 : index
    %swap3A_62 = tpu.vector_load %arg13[%swap3A_61] {strides = array<i32>} : memref<256xi32, #tpu.memory_space<vmem>>, vector<16xi32>,
    tpu.vector_store %arg13[%swap3A_61], %broadcast_in_dim3A_8 {strides = array<i32>} : memref<256xi32, #tpu.memory_space<vmem>>, vector<16xi32>,
    %swap3A_63 = arith.constant 48 : index
    %swap3A_64 = tpu.vector_load %arg13[%swap3A_63] {strides = array<i32>} : memref<256xi32, #tpu.memory_space<vmem>>, vector<16xi32>,
    tpu.vector_store %arg13[%swap3A_63], %broadcast_in_dim3A_8 {strides = array<i32>} : memref<256xi32, #tpu.memory_space<vmem>>, vector<16xi32>,
    %swap3A_65 = arith.constant 64 : index
    %swap3A_66 = tpu.vector_load %arg13[%swap3A_65] {strides = array<i32>} : memref<256xi32, #tpu.memory_space<vmem>>, vector<16xi32>,
    tpu.vector_store %arg13[%swap3A_65], %broadcast_in_dim3A_8 {strides = array<i32>} : memref<256xi32, #tpu.memory_space<vmem>>, vector<16xi32>,
    %swap3A_67 = arith.constant 80 : index
    %swap3A_68 = tpu.vector_load %arg13[%swap3A_67] {strides = array<i32>} : memref<256xi32, #tpu.memory_space<vmem>>, vector<16xi32>,
    tpu.vector_store %arg13[%swap3A_67], %broadcast_in_dim3A_8 {strides = array<i32>} : memref<256xi32, #tpu.memory_space<vmem>>, vector<16xi32>,
    %swap3A_69 = arith.constant 96 : index
    %swap3A_70 = tpu.vector_load %arg13[%swap3A_69] {strides = array<i32>} : memref<256xi32, #tpu.memory_space<vmem>>, vector<16xi32>,
    tpu.vector_store %arg13[%swap3A_69], %broadcast_in_dim3A_8 {strides = array<i32>} : memref<256xi32, #tpu.memory_space<vmem>>, vector<16xi32>,
    %swap3A_71 = arith.constant 112 : index
    %swap3A_72 = tpu.vector_load %arg13[%swap3A_71] {strides = array<i32>} : memref<256xi32, #tpu.memory_space<vmem>>, vector<16xi32>,
    tpu.vector_store %arg13[%swap3A_71], %broadcast_in_dim3A_8 {strides = array<i32>} : memref<256xi32, #tpu.memory_space<vmem>>, vector<16xi32>,
    %swap3A_73 = arith.constant 128 : index
    %swap3A_74 = tpu.vector_load %arg13[%swap3A_73] {strides = array<i32>} : memref<256xi32, #tpu.memory_space<vmem>>, vector<16xi32>,
    tpu.vector_store %arg13[%swap3A_73], %broadcast_in_dim3A_8 {strides = array<i32>} : memref<256xi32, #tpu.memory_space<vmem>>, vector<16xi32>,
    %swap3A_75 = arith.constant 144 : index
    %swap3A_76 = tpu.vector_load %arg13[%swap3A_75] {strides = array<i32>} : memref<256xi32, #tpu.memory_space<vmem>>, vector<16xi32>,
    tpu.vector_store %arg13[%swap3A_75], %broadcast_in_dim3A_8 {strides = array<i32>} : memref<256xi32, #tpu.memory_space<vmem>>, vector<16xi32>,
    %swap3A_77 = arith.constant 160 : index
    %swap3A_78 = tpu.vector_load %arg13[%swap3A_77] {strides = array<i32>} : memref<256xi32, #tpu.memory_space<vmem>>, vector<16xi32>,
    tpu.vector_store %arg13[%swap3A_77], %broadcast_in_dim3A_8 {strides = array<i32>} : memref<256xi32, #tpu.memory_space<vmem>>, vector<16xi32>,
    %swap3A_79 = arith.constant 176 : index
    %swap3A_80 = tpu.vector_load %arg13[%swap3A_79] {strides = array<i32>} : memref<256xi32, #tpu.memory_space<vmem>>, vector<16xi32>,
    tpu.vector_store %arg13[%swap3A_79], %broadcast_in_dim3A_8 {strides = array<i32>} : memref<256xi32, #tpu.memory_space<vmem>>, vector<16xi32>,
    %swap3A_81 = arith.constant 192 : index
    %swap3A_82 = tpu.vector_load %arg13[%swap3A_81] {strides = array<i32>} : memref<256xi32, #tpu.memory_space<vmem>>, vector<16xi32>,
    tpu.vector_store %arg13[%swap3A_81], %broadcast_in_dim3A_8 {strides = array<i32>} : memref<256xi32, #tpu.memory_space<vmem>>, vector<16xi32>,
    %swap3A_83 = arith.constant 208 : index
    %swap3A_84 = tpu.vector_load %arg13[%swap3A_83] {strides = array<i32>} : memref<256xi32, #tpu.memory_space<vmem>>, vector<16xi32>,
    tpu.vector_store %arg13[%swap3A_83], %broadcast_in_dim3A_8 {strides = array<i32>} : memref<256xi32, #tpu.memory_space<vmem>>, vector<16xi32>,
    %swap3A_85 = arith.constant 224 : index
    %swap3A_86 = tpu.vector_load %arg13[%swap3A_85] {strides = array<i32>} : memref<256xi32, #tpu.memory_space<vmem>>, vector<16xi32>,
    tpu.vector_store %arg13[%swap3A_85], %broadcast_in_dim3A_8 {strides = array<i32>} : memref<256xi32, #tpu.memory_space<vmem>>, vector<16xi32>,
    %swap3A_87 = arith.constant 240 : index
    %swap3A_88 = tpu.vector_load %arg13[%swap3A_87] {strides = array<i32>} : memref<256xi32, #tpu.memory_space<vmem>>, vector<16xi32>,
    tpu.vector_store %arg13[%swap3A_87], %broadcast_in_dim3A_8 {strides = array<i32>} : memref<256xi32, #tpu.memory_space<vmem>>, vector<16xi32>,
    %scan3A_89 = arith.constant 0 : i32
    %scan3A_90 = arith.constant 0 : i32
    %scan3A_91 = arith.constant 64 : i32
    %scan3A_92 = arith.addi %scan3A_90, %scan3A_91 : i32
    %scan3A_93 = arith.constant 1 : i32
    scf.for %scan3A_465 = %scan3A_90 to %scan3A_92 step %scan3A_93  : i32 {
      %mul3A_466 = arith.constant 64 : i32
      %mul3A_467 = vector.broadcast %mul3A_466 : i32 to vector<16xi32>
      %mul3A_468 = arith.muli %iota3A, %mul3A_467 : vector<16xi32>
      %add3A_469 = vector.broadcast %scan3A_465 : i32 to vector<16xi32>
      %add3A_470 = arith.addi %mul3A_468, %add3A_469 : vector<16xi32>
      %and3A = arith.constant -256 : i32
      %and3A_471 = vector.broadcast %and3A : i32 to vector<16xi32>
      %and3A_472 = arith.andi %add3A_470, %and3A_471 : vector<16xi32>
      %and3A_473 = arith.constant 1 : i32
      %and3A_474 = vector.broadcast %and3A_473 : i32 to vector<16xi32>
      %and3A_475 = arith.andi %add3A_470, %and3A_474 : vector<16xi32>
      %shift_left3A = arith.constant 7 : i32
      %shift_left3A_476 = vector.broadcast %shift_left3A : i32 to vector<16xi32>
      %shift_left3A_477 = arith.shli %and3A_475, %shift_left3A_476 : vector<16xi32>
      %or3A = arith.ori %and3A_472, %shift_left3A_477 : vector<16xi32>
      %and3A_478 = arith.constant 255 : i32
      %and3A_479 = vector.broadcast %and3A_478 : i32 to vector<16xi32>
      %and3A_480 = arith.andi %add3A_470, %and3A_479 : vector<16xi32>
      %shift_right_logical3A = arith.constant 1 : i32
      %shift_right_logical3A_481 = vector.broadcast %shift_right_logical3A : i32 to vector<16xi32>
      %shift_right_logical3A_482 = arith.shrui %and3A_480, %shift_right_logical3A_481 : vector<16xi32>
      %or3A_483 = arith.ori %or3A, %shift_right_logical3A_482 : vector<16xi32>
      %gather3A = tpu.vector_load_idx %arg9[%or3A_483] : memref<1024xi32, #tpu.memory_space<vmem>>[vector<16xi32>], vector<16xi32>,
      %add3A_484 = arith.addi %mul3A_5, %gather3A : vector<16xi32>
      %gather3A_485 = tpu.vector_load_idx %arg13[%add3A_484] : memref<256xi32, #tpu.memory_space<vmem>>[vector<16xi32>], vector<16xi32>,
      %add3A_486 = arith.constant 1 : i32
      %add3A_487 = vector.broadcast %add3A_486 : i32 to vector<16xi32>
      %add3A_488 = arith.addi %gather3A_485, %add3A_487 : vector<16xi32>
      tpu.vector_store_idx %arg13[%add3A_484], %add3A_488 : memref<256xi32, #tpu.memory_space<vmem>>[vector<16xi32>], vector<16xi32>,
      %mul3A_489 = arith.constant 16 : i32
      %mul3A_490 = arith.muli %scan3A_465, %mul3A_489 : i32
      %add3A_491 = vector.broadcast %mul3A_490 : i32 to vector<16xi32>
      %add3A_492 = arith.addi %add3A_491, %iota3A : vector<16xi32>
      %and3A_493 = arith.constant -256 : i32
      %and3A_494 = vector.broadcast %and3A_493 : i32 to vector<16xi32>
      %and3A_495 = arith.andi %add3A_492, %and3A_494 : vector<16xi32>
      %and3A_496 = arith.constant 127 : i32
      %and3A_497 = vector.broadcast %and3A_496 : i32 to vector<16xi32>
      %and3A_498 = arith.andi %add3A_492, %and3A_497 : vector<16xi32>
      %shift_left3A_499 = arith.constant 1 : i32
      %shift_left3A_500 = vector.broadcast %shift_left3A_499 : i32 to vector<16xi32>
      %shift_left3A_501 = arith.shli %and3A_498, %shift_left3A_500 : vector<16xi32>
      %or3A_502 = arith.ori %and3A_495, %shift_left3A_501 : vector<16xi32>
      %shift_right_logical3A_503 = arith.constant 7 : i32
      %shift_right_logical3A_504 = vector.broadcast %shift_right_logical3A_503 : i32 to vector<16xi32>
      %shift_right_logical3A_505 = arith.shrui %add3A_492, %shift_right_logical3A_504 : vector<16xi32>
      %and3A_506 = arith.constant 1 : i32
      %and3A_507 = vector.broadcast %and3A_506 : i32 to vector<16xi32>
      %and3A_508 = arith.andi %shift_right_logical3A_505, %and3A_507 : vector<16xi32>
      %or3A_509 = arith.ori %or3A_502, %and3A_508 : vector<16xi32>
      %add3A_510 = vector.broadcast %mul3A_2 : i32 to vector<16xi32>
      %add3A_511 = arith.addi %add3A_510, %or3A_509 : vector<16xi32>
      %shift_right_logical3A_512 = arith.constant 1 : i32
      %shift_right_logical3A_513 = vector.broadcast %shift_right_logical3A_512 : i32 to vector<16xi32>
      %shift_right_logical3A_514 = arith.shrui %add3A_511, %shift_right_logical3A_513 : vector<16xi32>
      %mul3A_515 = arith.constant 16 : i32
      %mul3A_516 = arith.muli %scan3A_465, %mul3A_515 : i32
      %swap3A_517 = arith.index_cast %mul3A_516 : i32 to index
      %swap3A_518 = tpu.vector_load %arg11[%swap3A_517] {strides = array<i32>} : memref<1024xi32, #tpu.memory_space<vmem>>, vector<16xi32>,
      tpu.vector_store %arg11[%swap3A_517], %shift_right_logical3A_514 {strides = array<i32>} : memref<1024xi32, #tpu.memory_space<vmem>>, vector<16xi32>,
    }
    %scan3A_94 = arith.constant 64 : i32
    %get3A = arith.constant 0 : index
    %get3A_95 = tpu.vector_load %arg14[%get3A] {strides = array<i32>} : memref<16xf32, #tpu.memory_space<vmem>>, vector<16xf32>,
    %convert_element_type3A = arith.fptosi %get3A_95 : vector<16xf32> to vector<16xi32>
    %get3A_96 = arith.constant 0 : index
    %get3A_97 = tpu.vector_load %arg13[%get3A_96] {strides = array<i32>} : memref<256xi32, #tpu.memory_space<vmem>>, vector<16xi32>,
    %swap3A_98 = arith.constant 0 : index
    %swap3A_99 = tpu.vector_load %arg13[%swap3A_98] {strides = array<i32>} : memref<256xi32, #tpu.memory_space<vmem>>, vector<16xi32>,
    tpu.vector_store %arg13[%swap3A_98], %convert_element_type3A {strides = array<i32>} : memref<256xi32, #tpu.memory_space<vmem>>, vector<16xi32>,
    %add3A_100 = arith.addi %convert_element_type3A, %get3A_97 : vector<16xi32>
    %get3A_101 = arith.constant 16 : index
    %get3A_102 = tpu.vector_load %arg13[%get3A_101] {strides = array<i32>} : memref<256xi32, #tpu.memory_space<vmem>>, vector<16xi32>,
    %swap3A_103 = arith.constant 16 : index
    %swap3A_104 = tpu.vector_load %arg13[%swap3A_103] {strides = array<i32>} : memref<256xi32, #tpu.memory_space<vmem>>, vector<16xi32>,
    tpu.vector_store %arg13[%swap3A_103], %add3A_100 {strides = array<i32>} : memref<256xi32, #tpu.memory_space<vmem>>, vector<16xi32>,
    %add3A_105 = arith.addi %add3A_100, %get3A_102 : vector<16xi32>
    %get3A_106 = arith.constant 32 : index
    %get3A_107 = tpu.vector_load %arg13[%get3A_106] {strides = array<i32>} : memref<256xi32, #tpu.memory_space<vmem>>, vector<16xi32>,
    %swap3A_108 = arith.constant 32 : index
    %swap3A_109 = tpu.vector_load %arg13[%swap3A_108] {strides = array<i32>} : memref<256xi32, #tpu.memory_space<vmem>>, vector<16xi32>,
    tpu.vector_store %arg13[%swap3A_108], %add3A_105 {strides = array<i32>} : memref<256xi32, #tpu.memory_space<vmem>>, vector<16xi32>,
    %add3A_110 = arith.addi %add3A_105, %get3A_107 : vector<16xi32>
    %get3A_111 = arith.constant 48 : index
    %get3A_112 = tpu.vector_load %arg13[%get3A_111] {strides = array<i32>} : memref<256xi32, #tpu.memory_space<vmem>>, vector<16xi32>,
    %swap3A_113 = arith.constant 48 : index
    %swap3A_114 = tpu.vector_load %arg13[%swap3A_113] {strides = array<i32>} : memref<256xi32, #tpu.memory_space<vmem>>, vector<16xi32>,
    tpu.vector_store %arg13[%swap3A_113], %add3A_110 {strides = array<i32>} : memref<256xi32, #tpu.memory_space<vmem>>, vector<16xi32>,
    %add3A_115 = arith.addi %add3A_110, %get3A_112 : vector<16xi32>
    %get3A_116 = arith.constant 64 : index
    %get3A_117 = tpu.vector_load %arg13[%get3A_116] {strides = array<i32>} : memref<256xi32, #tpu.memory_space<vmem>>, vector<16xi32>,
    %swap3A_118 = arith.constant 64 : index
    %swap3A_119 = tpu.vector_load %arg13[%swap3A_118] {strides = array<i32>} : memref<256xi32, #tpu.memory_space<vmem>>, vector<16xi32>,
    tpu.vector_store %arg13[%swap3A_118], %add3A_115 {strides = array<i32>} : memref<256xi32, #tpu.memory_space<vmem>>, vector<16xi32>,
    %add3A_120 = arith.addi %add3A_115, %get3A_117 : vector<16xi32>
    %get3A_121 = arith.constant 80 : index
    %get3A_122 = tpu.vector_load %arg13[%get3A_121] {strides = array<i32>} : memref<256xi32, #tpu.memory_space<vmem>>, vector<16xi32>,
    %swap3A_123 = arith.constant 80 : index
    %swap3A_124 = tpu.vector_load %arg13[%swap3A_123] {strides = array<i32>} : memref<256xi32, #tpu.memory_space<vmem>>, vector<16xi32>,
    tpu.vector_store %arg13[%swap3A_123], %add3A_120 {strides = array<i32>} : memref<256xi32, #tpu.memory_space<vmem>>, vector<16xi32>,
    %add3A_125 = arith.addi %add3A_120, %get3A_122 : vector<16xi32>
    %get3A_126 = arith.constant 96 : index
    %get3A_127 = tpu.vector_load %arg13[%get3A_126] {strides = array<i32>} : memref<256xi32, #tpu.memory_space<vmem>>, vector<16xi32>,
    %swap3A_128 = arith.constant 96 : index
    %swap3A_129 = tpu.vector_load %arg13[%swap3A_128] {strides = array<i32>} : memref<256xi32, #tpu.memory_space<vmem>>, vector<16xi32>,
    tpu.vector_store %arg13[%swap3A_128], %add3A_125 {strides = array<i32>} : memref<256xi32, #tpu.memory_space<vmem>>, vector<16xi32>,
    %add3A_130 = arith.addi %add3A_125, %get3A_127 : vector<16xi32>
    %get3A_131 = arith.constant 112 : index
    %get3A_132 = tpu.vector_load %arg13[%get3A_131] {strides = array<i32>} : memref<256xi32, #tpu.memory_space<vmem>>, vector<16xi32>,
    %swap3A_133 = arith.constant 112 : index
    %swap3A_134 = tpu.vector_load %arg13[%swap3A_133] {strides = array<i32>} : memref<256xi32, #tpu.memory_space<vmem>>, vector<16xi32>,
    tpu.vector_store %arg13[%swap3A_133], %add3A_130 {strides = array<i32>} : memref<256xi32, #tpu.memory_space<vmem>>, vector<16xi32>,
    %add3A_135 = arith.addi %add3A_130, %get3A_132 : vector<16xi32>
    %get3A_136 = arith.constant 128 : index
    %get3A_137 = tpu.vector_load %arg13[%get3A_136] {strides = array<i32>} : memref<256xi32, #tpu.memory_space<vmem>>, vector<16xi32>,
    %swap3A_138 = arith.constant 128 : index
    %swap3A_139 = tpu.vector_load %arg13[%swap3A_138] {strides = array<i32>} : memref<256xi32, #tpu.memory_space<vmem>>, vector<16xi32>,
    tpu.vector_store %arg13[%swap3A_138], %add3A_135 {strides = array<i32>} : memref<256xi32, #tpu.memory_space<vmem>>, vector<16xi32>,
    %add3A_140 = arith.addi %add3A_135, %get3A_137 : vector<16xi32>
    %get3A_141 = arith.constant 144 : index
    %get3A_142 = tpu.vector_load %arg13[%get3A_141] {strides = array<i32>} : memref<256xi32, #tpu.memory_space<vmem>>, vector<16xi32>,
    %swap3A_143 = arith.constant 144 : index
    %swap3A_144 = tpu.vector_load %arg13[%swap3A_143] {strides = array<i32>} : memref<256xi32, #tpu.memory_space<vmem>>, vector<16xi32>,
    tpu.vector_store %arg13[%swap3A_143], %add3A_140 {strides = array<i32>} : memref<256xi32, #tpu.memory_space<vmem>>, vector<16xi32>,
    %add3A_145 = arith.addi %add3A_140, %get3A_142 : vector<16xi32>
    %get3A_146 = arith.constant 160 : index
    %get3A_147 = tpu.vector_load %arg13[%get3A_146] {strides = array<i32>} : memref<256xi32, #tpu.memory_space<vmem>>, vector<16xi32>,
    %swap3A_148 = arith.constant 160 : index
    %swap3A_149 = tpu.vector_load %arg13[%swap3A_148] {strides = array<i32>} : memref<256xi32, #tpu.memory_space<vmem>>, vector<16xi32>,
    tpu.vector_store %arg13[%swap3A_148], %add3A_145 {strides = array<i32>} : memref<256xi32, #tpu.memory_space<vmem>>, vector<16xi32>,
    %add3A_150 = arith.addi %add3A_145, %get3A_147 : vector<16xi32>
    %get3A_151 = arith.constant 176 : index
    %get3A_152 = tpu.vector_load %arg13[%get3A_151] {strides = array<i32>} : memref<256xi32, #tpu.memory_space<vmem>>, vector<16xi32>,
    %swap3A_153 = arith.constant 176 : index
    %swap3A_154 = tpu.vector_load %arg13[%swap3A_153] {strides = array<i32>} : memref<256xi32, #tpu.memory_space<vmem>>, vector<16xi32>,
    tpu.vector_store %arg13[%swap3A_153], %add3A_150 {strides = array<i32>} : memref<256xi32, #tpu.memory_space<vmem>>, vector<16xi32>,
    %add3A_155 = arith.addi %add3A_150, %get3A_152 : vector<16xi32>
    %get3A_156 = arith.constant 192 : index
    %get3A_157 = tpu.vector_load %arg13[%get3A_156] {strides = array<i32>} : memref<256xi32, #tpu.memory_space<vmem>>, vector<16xi32>,
    %swap3A_158 = arith.constant 192 : index
    %swap3A_159 = tpu.vector_load %arg13[%swap3A_158] {strides = array<i32>} : memref<256xi32, #tpu.memory_space<vmem>>, vector<16xi32>,
    tpu.vector_store %arg13[%swap3A_158], %add3A_155 {strides = array<i32>} : memref<256xi32, #tpu.memory_space<vmem>>, vector<16xi32>,
    %add3A_160 = arith.addi %add3A_155, %get3A_157 : vector<16xi32>
    %get3A_161 = arith.constant 208 : index
    %get3A_162 = tpu.vector_load %arg13[%get3A_161] {strides = array<i32>} : memref<256xi32, #tpu.memory_space<vmem>>, vector<16xi32>,
    %swap3A_163 = arith.constant 208 : index
    %swap3A_164 = tpu.vector_load %arg13[%swap3A_163] {strides = array<i32>} : memref<256xi32, #tpu.memory_space<vmem>>, vector<16xi32>,
    tpu.vector_store %arg13[%swap3A_163], %add3A_160 {strides = array<i32>} : memref<256xi32, #tpu.memory_space<vmem>>, vector<16xi32>,
    %add3A_165 = arith.addi %add3A_160, %get3A_162 : vector<16xi32>
    %get3A_166 = arith.constant 224 : index
    %get3A_167 = tpu.vector_load %arg13[%get3A_166] {strides = array<i32>} : memref<256xi32, #tpu.memory_space<vmem>>, vector<16xi32>,
    %swap3A_168 = arith.constant 224 : index
    %swap3A_169 = tpu.vector_load %arg13[%swap3A_168] {strides = array<i32>} : memref<256xi32, #tpu.memory_space<vmem>>, vector<16xi32>,
    tpu.vector_store %arg13[%swap3A_168], %add3A_165 {strides = array<i32>} : memref<256xi32, #tpu.memory_space<vmem>>, vector<16xi32>,
    %add3A_170 = arith.addi %add3A_165, %get3A_167 : vector<16xi32>
    %get3A_171 = arith.constant 240 : index
    %get3A_172 = tpu.vector_load %arg13[%get3A_171] {strides = array<i32>} : memref<256xi32, #tpu.memory_space<vmem>>, vector<16xi32>,
    %swap3A_173 = arith.constant 240 : index
    %swap3A_174 = tpu.vector_load %arg13[%swap3A_173] {strides = array<i32>} : memref<256xi32, #tpu.memory_space<vmem>>, vector<16xi32>,
    tpu.vector_store %arg13[%swap3A_173], %add3A_170 {strides = array<i32>} : memref<256xi32, #tpu.memory_space<vmem>>, vector<16xi32>,
    %add3A_175 = arith.addi %add3A_170, %get3A_172 : vector<16xi32>
    %scan3A_176 = arith.constant 0 : i32
    %scan3A_177 = arith.constant 0 : i32
    %scan3A_178 = arith.constant 32 : i32
    %scan3A_179 = arith.addi %scan3A_177, %scan3A_178 : i32
    %scan3A_180 = arith.constant 1 : i32
    scf.for %scan3A_465 = %scan3A_177 to %scan3A_179 step %scan3A_180  : i32 {
      %mul3A_466 = arith.constant 2 : i32
      %mul3A_467 = arith.muli %scan3A_465, %mul3A_466 : i32
      %add3A_468 = arith.constant 0 : i32
      %add3A_469 = arith.addi %mul3A_467, %add3A_468 : i32
      %mul3A_470 = arith.constant 64 : i32
      %mul3A_471 = vector.broadcast %mul3A_470 : i32 to vector<16xi32>
      %mul3A_472 = arith.muli %iota3A, %mul3A_471 : vector<16xi32>
      %add3A_473 = vector.broadcast %add3A_469 : i32 to vector<16xi32>
      %add3A_474 = arith.addi %mul3A_472, %add3A_473 : vector<16xi32>
      %and3A = arith.constant -256 : i32
      %and3A_475 = vector.broadcast %and3A : i32 to vector<16xi32>
      %and3A_476 = arith.andi %add3A_474, %and3A_475 : vector<16xi32>
      %and3A_477 = arith.constant 1 : i32
      %and3A_478 = vector.broadcast %and3A_477 : i32 to vector<16xi32>
      %and3A_479 = arith.andi %add3A_474, %and3A_478 : vector<16xi32>
      %shift_left3A = arith.constant 7 : i32
      %shift_left3A_480 = vector.broadcast %shift_left3A : i32 to vector<16xi32>
      %shift_left3A_481 = arith.shli %and3A_479, %shift_left3A_480 : vector<16xi32>
      %or3A = arith.ori %and3A_476, %shift_left3A_481 : vector<16xi32>
      %and3A_482 = arith.constant 255 : i32
      %and3A_483 = vector.broadcast %and3A_482 : i32 to vector<16xi32>
      %and3A_484 = arith.andi %add3A_474, %and3A_483 : vector<16xi32>
      %shift_right_logical3A = arith.constant 1 : i32
      %shift_right_logical3A_485 = vector.broadcast %shift_right_logical3A : i32 to vector<16xi32>
      %shift_right_logical3A_486 = arith.shrui %and3A_484, %shift_right_logical3A_485 : vector<16xi32>
      %or3A_487 = arith.ori %or3A, %shift_right_logical3A_486 : vector<16xi32>
      %gather3A = tpu.vector_load_idx %arg9[%or3A_487] : memref<1024xi32, #tpu.memory_space<vmem>>[vector<16xi32>], vector<16xi32>,
      %add3A_488 = arith.addi %mul3A_5, %gather3A : vector<16xi32>
      %gather3A_489 = tpu.vector_load_idx %arg13[%add3A_488] : memref<256xi32, #tpu.memory_space<vmem>>[vector<16xi32>], vector<16xi32>,
      %add3A_490 = arith.constant 1 : i32
      %add3A_491 = vector.broadcast %add3A_490 : i32 to vector<16xi32>
      %add3A_492 = arith.addi %gather3A_489, %add3A_491 : vector<16xi32>
      tpu.vector_store_idx %arg13[%add3A_488], %add3A_492 : memref<256xi32, #tpu.memory_space<vmem>>[vector<16xi32>], vector<16xi32>,
      %shift_right_logical3A_493 = arith.constant 7 : i32
      %shift_right_logical3A_494 = vector.broadcast %shift_right_logical3A_493 : i32 to vector<16xi32>
      %shift_right_logical3A_495 = arith.shrui %or3A_487, %shift_right_logical3A_494 : vector<16xi32>
      %and3A_496 = arith.constant 127 : i32
      %and3A_497 = vector.broadcast %and3A_496 : i32 to vector<16xi32>
      %and3A_498 = arith.andi %or3A_487, %and3A_497 : vector<16xi32>
      tpu.vector_store_idx %arg12[%shift_right_logical3A_495, %and3A_498], %gather3A_489 : memref<8x128xi32, #tpu.memory_space<vmem>>[vector<16xi32>, vector<16xi32>], vector<16xi32>,
      %mul3A_499 = arith.constant 2 : i32
      %mul3A_500 = arith.muli %scan3A_465, %mul3A_499 : i32
      %add3A_501 = arith.constant 1 : i32
      %add3A_502 = arith.addi %mul3A_500, %add3A_501 : i32
      %mul3A_503 = arith.constant 64 : i32
      %mul3A_504 = vector.broadcast %mul3A_503 : i32 to vector<16xi32>
      %mul3A_505 = arith.muli %iota3A, %mul3A_504 : vector<16xi32>
      %add3A_506 = vector.broadcast %add3A_502 : i32 to vector<16xi32>
      %add3A_507 = arith.addi %mul3A_505, %add3A_506 : vector<16xi32>
      %and3A_508 = arith.constant -256 : i32
      %and3A_509 = vector.broadcast %and3A_508 : i32 to vector<16xi32>
      %and3A_510 = arith.andi %add3A_507, %and3A_509 : vector<16xi32>
      %and3A_511 = arith.constant 1 : i32
      %and3A_512 = vector.broadcast %and3A_511 : i32 to vector<16xi32>
      %and3A_513 = arith.andi %add3A_507, %and3A_512 : vector<16xi32>
      %shift_left3A_514 = arith.constant 7 : i32
      %shift_left3A_515 = vector.broadcast %shift_left3A_514 : i32 to vector<16xi32>
      %shift_left3A_516 = arith.shli %and3A_513, %shift_left3A_515 : vector<16xi32>
      %or3A_517 = arith.ori %and3A_510, %shift_left3A_516 : vector<16xi32>
      %and3A_518 = arith.constant 255 : i32
      %and3A_519 = vector.broadcast %and3A_518 : i32 to vector<16xi32>
      %and3A_520 = arith.andi %add3A_507, %and3A_519 : vector<16xi32>
      %shift_right_logical3A_521 = arith.constant 1 : i32
      %shift_right_logical3A_522 = vector.broadcast %shift_right_logical3A_521 : i32 to vector<16xi32>
      %shift_right_logical3A_523 = arith.shrui %and3A_520, %shift_right_logical3A_522 : vector<16xi32>
      %or3A_524 = arith.ori %or3A_517, %shift_right_logical3A_523 : vector<16xi32>
      %gather3A_525 = tpu.vector_load_idx %arg9[%or3A_524] : memref<1024xi32, #tpu.memory_space<vmem>>[vector<16xi32>], vector<16xi32>,
      %add3A_526 = arith.addi %mul3A_5, %gather3A_525 : vector<16xi32>
      %gather3A_527 = tpu.vector_load_idx %arg13[%add3A_526] : memref<256xi32, #tpu.memory_space<vmem>>[vector<16xi32>], vector<16xi32>,
      %add3A_528 = arith.constant 1 : i32
      %add3A_529 = vector.broadcast %add3A_528 : i32 to vector<16xi32>
      %add3A_530 = arith.addi %gather3A_527, %add3A_529 : vector<16xi32>
      tpu.vector_store_idx %arg13[%add3A_526], %add3A_530 : memref<256xi32, #tpu.memory_space<vmem>>[vector<16xi32>], vector<16xi32>,
      %shift_right_logical3A_531 = arith.constant 7 : i32
      %shift_right_logical3A_532 = vector.broadcast %shift_right_logical3A_531 : i32 to vector<16xi32>
      %shift_right_logical3A_533 = arith.shrui %or3A_524, %shift_right_logical3A_532 : vector<16xi32>
      %and3A_534 = arith.constant 127 : i32
      %and3A_535 = vector.broadcast %and3A_534 : i32 to vector<16xi32>
      %and3A_536 = arith.andi %or3A_524, %and3A_535 : vector<16xi32>
      tpu.vector_store_idx %arg12[%shift_right_logical3A_533, %and3A_536], %gather3A_527 : memref<8x128xi32, #tpu.memory_space<vmem>>[vector<16xi32>, vector<16xi32>], vector<16xi32>,
    }
    %scan3A_181 = arith.constant 32 : i32
    %dma_wait3A_182 = tpu.memref_slice %arg17[%add3A_24] : memref<32768xf32, #tpu.memory_space<vmem_shared>> -> memref<512xf32, #tpu.memory_space<vmem_shared>>
    %dma_wait3A_183 = tpu.memref_slice %arg17[%add3A_24] : memref<32768xf32, #tpu.memory_space<vmem_shared>> -> memref<512xf32, #tpu.memory_space<vmem_shared>>
    tpu.wait_dma2 semaphore(%arg20 : memref<!tpu.dma_semaphore, #tpu.memory_space<semaphore_mem>>) src(%arg15 : memref<512xf32, #tpu.memory_space<vmem>>) dst(%dma_wait3A_183 : memref<512xf32, #tpu.memory_space<vmem_shared>>)
    %dma_wait3A_184 = tpu.memref_slice %arg18[%add3A_24] : memref<32768xi32, #tpu.memory_space<vmem_shared>> -> memref<512xi32, #tpu.memory_space<vmem_shared>>
    %dma_wait3A_185 = tpu.memref_slice %arg18[%add3A_24] : memref<32768xi32, #tpu.memory_space<vmem_shared>> -> memref<512xi32, #tpu.memory_space<vmem_shared>>
    tpu.wait_dma2 semaphore(%arg20 : memref<!tpu.dma_semaphore, #tpu.memory_space<semaphore_mem>>) src(%arg16 : memref<512xi32, #tpu.memory_space<vmem>>) dst(%dma_wait3A_185 : memref<512xi32, #tpu.memory_space<vmem_shared>>)
    %dma_wait3A_186 = tpu.memref_slice %arg17[%add3A_32] : memref<32768xf32, #tpu.memory_space<vmem_shared>> -> memref<512xf32, #tpu.memory_space<vmem_shared>>
    %dma_wait3A_187 = tpu.memref_slice %arg17[%add3A_32] : memref<32768xf32, #tpu.memory_space<vmem_shared>> -> memref<512xf32, #tpu.memory_space<vmem_shared>>
    tpu.wait_dma2 semaphore(%arg20 : memref<!tpu.dma_semaphore, #tpu.memory_space<semaphore_mem>>) src(%arg15 : memref<512xf32, #tpu.memory_space<vmem>>) dst(%dma_wait3A_187 : memref<512xf32, #tpu.memory_space<vmem_shared>>)
    %dma_wait3A_188 = tpu.memref_slice %arg18[%add3A_32] : memref<32768xi32, #tpu.memory_space<vmem_shared>> -> memref<512xi32, #tpu.memory_space<vmem_shared>>
    %dma_wait3A_189 = tpu.memref_slice %arg18[%add3A_32] : memref<32768xi32, #tpu.memory_space<vmem_shared>> -> memref<512xi32, #tpu.memory_space<vmem_shared>>
    tpu.wait_dma2 semaphore(%arg20 : memref<!tpu.dma_semaphore, #tpu.memory_space<semaphore_mem>>) src(%arg16 : memref<512xi32, #tpu.memory_space<vmem>>) dst(%dma_wait3A_189 : memref<512xi32, #tpu.memory_space<vmem_shared>>)
    %dma_wait3A_190 = tpu.memref_slice %arg17[%add3A_40] : memref<32768xf32, #tpu.memory_space<vmem_shared>> -> memref<512xf32, #tpu.memory_space<vmem_shared>>
    %dma_wait3A_191 = tpu.memref_slice %arg17[%add3A_40] : memref<32768xf32, #tpu.memory_space<vmem_shared>> -> memref<512xf32, #tpu.memory_space<vmem_shared>>
    tpu.wait_dma2 semaphore(%arg20 : memref<!tpu.dma_semaphore, #tpu.memory_space<semaphore_mem>>) src(%arg15 : memref<512xf32, #tpu.memory_space<vmem>>) dst(%dma_wait3A_191 : memref<512xf32, #tpu.memory_space<vmem_shared>>)
    %dma_wait3A_192 = tpu.memref_slice %arg18[%add3A_40] : memref<32768xi32, #tpu.memory_space<vmem_shared>> -> memref<512xi32, #tpu.memory_space<vmem_shared>>
    %dma_wait3A_193 = tpu.memref_slice %arg18[%add3A_40] : memref<32768xi32, #tpu.memory_space<vmem_shared>> -> memref<512xi32, #tpu.memory_space<vmem_shared>>
    tpu.wait_dma2 semaphore(%arg20 : memref<!tpu.dma_semaphore, #tpu.memory_space<semaphore_mem>>) src(%arg16 : memref<512xi32, #tpu.memory_space<vmem>>) dst(%dma_wait3A_193 : memref<512xi32, #tpu.memory_space<vmem_shared>>)
    %dma_wait3A_194 = tpu.memref_slice %arg17[%add3A_48] : memref<32768xf32, #tpu.memory_space<vmem_shared>> -> memref<512xf32, #tpu.memory_space<vmem_shared>>
    %dma_wait3A_195 = tpu.memref_slice %arg17[%add3A_48] : memref<32768xf32, #tpu.memory_space<vmem_shared>> -> memref<512xf32, #tpu.memory_space<vmem_shared>>
    tpu.wait_dma2 semaphore(%arg20 : memref<!tpu.dma_semaphore, #tpu.memory_space<semaphore_mem>>) src(%arg15 : memref<512xf32, #tpu.memory_space<vmem>>) dst(%dma_wait3A_195 : memref<512xf32, #tpu.memory_space<vmem_shared>>)
    %dma_wait3A_196 = tpu.memref_slice %arg18[%add3A_48] : memref<32768xi32, #tpu.memory_space<vmem_shared>> -> memref<512xi32, #tpu.memory_space<vmem_shared>>
    %dma_wait3A_197 = tpu.memref_slice %arg18[%add3A_48] : memref<32768xi32, #tpu.memory_space<vmem_shared>> -> memref<512xi32, #tpu.memory_space<vmem_shared>>
    tpu.wait_dma2 semaphore(%arg20 : memref<!tpu.dma_semaphore, #tpu.memory_space<semaphore_mem>>) src(%arg16 : memref<512xi32, #tpu.memory_space<vmem>>) dst(%dma_wait3A_197 : memref<512xi32, #tpu.memory_space<vmem_shared>>)
    %dma_wait3A_198 = tpu.memref_slice %arg3[%mul3A_2] : memref<32768xf32, #tpu.memory_space<hbm>> -> memref<1024xf32, #tpu.memory_space<hbm>>
    %dma_wait3A_199 = tpu.memref_slice %arg3[%mul3A_2] : memref<32768xf32, #tpu.memory_space<hbm>> -> memref<1024xf32, #tpu.memory_space<hbm>>
    tpu.wait_dma2 semaphore(%arg22 : memref<!tpu.dma_semaphore, #tpu.memory_space<semaphore_mem>>) src(%dma_wait3A_199 : memref<1024xf32, #tpu.memory_space<hbm>>) dst(%arg10 : memref<1024xf32, #tpu.memory_space<vmem>>)
    %barrier3A = arith.constant 0 : index
    tpu.barrier barrier_id(%barrier3A)
    %dma_start3A_200 = arith.constant 0 : i32
    %dma_start3A_201 = arith.constant 0 : i32
    %dma_start3A_202 = tpu.memref_slice %arg10[%dma_start3A_201] : memref<1024xf32, #tpu.memory_space<vmem>> -> memref<128xf32, #tpu.memory_space<vmem>>
    %dma_start3A_203 = arith.constant 0 : i32
    %dma_start3A_204 = tpu.memref_slice %arg12[%dma_start3A_200, %dma_start3A_203] : memref<8x128xi32, #tpu.memory_space<vmem>> -> memref<1x128xi32, #tpu.memory_space<vmem>>
    %dma_start3A_205 = tpu.memref_squeeze %dma_start3A_204 : memref<1x128xi32, #tpu.memory_space<vmem>> -> memref<128xi32, #tpu.memory_space<vmem>>
    %dma_start3A_206 = arith.constant 0 : i32
    %dma_start3A_207 = tpu.memref_slice %arg17[%dma_start3A_206] : memref<32768xf32, #tpu.memory_space<vmem_shared>> -> memref<32768xf32, #tpu.memory_space<vmem_shared>>
    tpu.enqueue_indirect_dma source(%dma_start3A_202 : memref<128xf32, #tpu.memory_space<vmem>>) target(%dma_start3A_207 : memref<32768xf32, #tpu.memory_space<vmem_shared>>) offsets(%dma_start3A_205 : memref<128xi32, #tpu.memory_space<vmem>>) semaphore(%arg19 : memref<!tpu.dma_semaphore, #tpu.memory_space<semaphore_mem>>) {add = true}
    %dma_start3A_208 = arith.constant 0 : i32
    %dma_start3A_209 = arith.constant 0 : i32
    %dma_start3A_210 = tpu.memref_slice %arg11[%dma_start3A_209] : memref<1024xi32, #tpu.memory_space<vmem>> -> memref<128xi32, #tpu.memory_space<vmem>>
    %dma_start3A_211 = arith.constant 0 : i32
    %dma_start3A_212 = tpu.memref_slice %arg12[%dma_start3A_208, %dma_start3A_211] : memref<8x128xi32, #tpu.memory_space<vmem>> -> memref<1x128xi32, #tpu.memory_space<vmem>>
    %dma_start3A_213 = tpu.memref_squeeze %dma_start3A_212 : memref<1x128xi32, #tpu.memory_space<vmem>> -> memref<128xi32, #tpu.memory_space<vmem>>
    %dma_start3A_214 = arith.constant 0 : i32
    %dma_start3A_215 = tpu.memref_slice %arg18[%dma_start3A_214] : memref<32768xi32, #tpu.memory_space<vmem_shared>> -> memref<32768xi32, #tpu.memory_space<vmem_shared>>
    tpu.enqueue_indirect_dma source(%dma_start3A_210 : memref<128xi32, #tpu.memory_space<vmem>>) target(%dma_start3A_215 : memref<32768xi32, #tpu.memory_space<vmem_shared>>) offsets(%dma_start3A_213 : memref<128xi32, #tpu.memory_space<vmem>>) semaphore(%arg19 : memref<!tpu.dma_semaphore, #tpu.memory_space<semaphore_mem>>) {add = true}
    %dma_start3A_216 = arith.constant 1 : i32
    %dma_start3A_217 = arith.constant 128 : i32
    %dma_start3A_218 = tpu.memref_slice %arg10[%dma_start3A_217] : memref<1024xf32, #tpu.memory_space<vmem>> -> memref<128xf32, #tpu.memory_space<vmem>>
    %dma_start3A_219 = arith.constant 0 : i32
    %dma_start3A_220 = tpu.memref_slice %arg12[%dma_start3A_216, %dma_start3A_219] : memref<8x128xi32, #tpu.memory_space<vmem>> -> memref<1x128xi32, #tpu.memory_space<vmem>>
    %dma_start3A_221 = tpu.memref_squeeze %dma_start3A_220 : memref<1x128xi32, #tpu.memory_space<vmem>> -> memref<128xi32, #tpu.memory_space<vmem>>
    %dma_start3A_222 = arith.constant 0 : i32
    %dma_start3A_223 = tpu.memref_slice %arg17[%dma_start3A_222] : memref<32768xf32, #tpu.memory_space<vmem_shared>> -> memref<32768xf32, #tpu.memory_space<vmem_shared>>
    tpu.enqueue_indirect_dma source(%dma_start3A_218 : memref<128xf32, #tpu.memory_space<vmem>>) target(%dma_start3A_223 : memref<32768xf32, #tpu.memory_space<vmem_shared>>) offsets(%dma_start3A_221 : memref<128xi32, #tpu.memory_space<vmem>>) semaphore(%arg19 : memref<!tpu.dma_semaphore, #tpu.memory_space<semaphore_mem>>) {add = true}
    %dma_start3A_224 = arith.constant 1 : i32
    %dma_start3A_225 = arith.constant 128 : i32
    %dma_start3A_226 = tpu.memref_slice %arg11[%dma_start3A_225] : memref<1024xi32, #tpu.memory_space<vmem>> -> memref<128xi32, #tpu.memory_space<vmem>>
    %dma_start3A_227 = arith.constant 0 : i32
    %dma_start3A_228 = tpu.memref_slice %arg12[%dma_start3A_224, %dma_start3A_227] : memref<8x128xi32, #tpu.memory_space<vmem>> -> memref<1x128xi32, #tpu.memory_space<vmem>>
    %dma_start3A_229 = tpu.memref_squeeze %dma_start3A_228 : memref<1x128xi32, #tpu.memory_space<vmem>> -> memref<128xi32, #tpu.memory_space<vmem>>
    %dma_start3A_230 = arith.constant 0 : i32
    %dma_start3A_231 = tpu.memref_slice %arg18[%dma_start3A_230] : memref<32768xi32, #tpu.memory_space<vmem_shared>> -> memref<32768xi32, #tpu.memory_space<vmem_shared>>
    tpu.enqueue_indirect_dma source(%dma_start3A_226 : memref<128xi32, #tpu.memory_space<vmem>>) target(%dma_start3A_231 : memref<32768xi32, #tpu.memory_space<vmem_shared>>) offsets(%dma_start3A_229 : memref<128xi32, #tpu.memory_space<vmem>>) semaphore(%arg19 : memref<!tpu.dma_semaphore, #tpu.memory_space<semaphore_mem>>) {add = true}
    %dma_start3A_232 = arith.constant 2 : i32
    %dma_start3A_233 = arith.constant 256 : i32
    %dma_start3A_234 = tpu.memref_slice %arg10[%dma_start3A_233] : memref<1024xf32, #tpu.memory_space<vmem>> -> memref<128xf32, #tpu.memory_space<vmem>>
    %dma_start3A_235 = arith.constant 0 : i32
    %dma_start3A_236 = tpu.memref_slice %arg12[%dma_start3A_232, %dma_start3A_235] : memref<8x128xi32, #tpu.memory_space<vmem>> -> memref<1x128xi32, #tpu.memory_space<vmem>>
    %dma_start3A_237 = tpu.memref_squeeze %dma_start3A_236 : memref<1x128xi32, #tpu.memory_space<vmem>> -> memref<128xi32, #tpu.memory_space<vmem>>
    %dma_start3A_238 = arith.constant 0 : i32
    %dma_start3A_239 = tpu.memref_slice %arg17[%dma_start3A_238] : memref<32768xf32, #tpu.memory_space<vmem_shared>> -> memref<32768xf32, #tpu.memory_space<vmem_shared>>
    tpu.enqueue_indirect_dma source(%dma_start3A_234 : memref<128xf32, #tpu.memory_space<vmem>>) target(%dma_start3A_239 : memref<32768xf32, #tpu.memory_space<vmem_shared>>) offsets(%dma_start3A_237 : memref<128xi32, #tpu.memory_space<vmem>>) semaphore(%arg19 : memref<!tpu.dma_semaphore, #tpu.memory_space<semaphore_mem>>) {add = true}
    %dma_start3A_240 = arith.constant 2 : i32
    %dma_start3A_241 = arith.constant 256 : i32
    %dma_start3A_242 = tpu.memref_slice %arg11[%dma_start3A_241] : memref<1024xi32, #tpu.memory_space<vmem>> -> memref<128xi32, #tpu.memory_space<vmem>>
    %dma_start3A_243 = arith.constant 0 : i32
    %dma_start3A_244 = tpu.memref_slice %arg12[%dma_start3A_240, %dma_start3A_243] : memref<8x128xi32, #tpu.memory_space<vmem>> -> memref<1x128xi32, #tpu.memory_space<vmem>>
    %dma_start3A_245 = tpu.memref_squeeze %dma_start3A_244 : memref<1x128xi32, #tpu.memory_space<vmem>> -> memref<128xi32, #tpu.memory_space<vmem>>
    %dma_start3A_246 = arith.constant 0 : i32
    %dma_start3A_247 = tpu.memref_slice %arg18[%dma_start3A_246] : memref<32768xi32, #tpu.memory_space<vmem_shared>> -> memref<32768xi32, #tpu.memory_space<vmem_shared>>
    tpu.enqueue_indirect_dma source(%dma_start3A_242 : memref<128xi32, #tpu.memory_space<vmem>>) target(%dma_start3A_247 : memref<32768xi32, #tpu.memory_space<vmem_shared>>) offsets(%dma_start3A_245 : memref<128xi32, #tpu.memory_space<vmem>>) semaphore(%arg19 : memref<!tpu.dma_semaphore, #tpu.memory_space<semaphore_mem>>) {add = true}
    %dma_start3A_248 = arith.constant 3 : i32
    %dma_start3A_249 = arith.constant 384 : i32
    %dma_start3A_250 = tpu.memref_slice %arg10[%dma_start3A_249] : memref<1024xf32, #tpu.memory_space<vmem>> -> memref<128xf32, #tpu.memory_space<vmem>>
    %dma_start3A_251 = arith.constant 0 : i32
    %dma_start3A_252 = tpu.memref_slice %arg12[%dma_start3A_248, %dma_start3A_251] : memref<8x128xi32, #tpu.memory_space<vmem>> -> memref<1x128xi32, #tpu.memory_space<vmem>>
    %dma_start3A_253 = tpu.memref_squeeze %dma_start3A_252 : memref<1x128xi32, #tpu.memory_space<vmem>> -> memref<128xi32, #tpu.memory_space<vmem>>
    %dma_start3A_254 = arith.constant 0 : i32
    %dma_start3A_255 = tpu.memref_slice %arg17[%dma_start3A_254] : memref<32768xf32, #tpu.memory_space<vmem_shared>> -> memref<32768xf32, #tpu.memory_space<vmem_shared>>
    tpu.enqueue_indirect_dma source(%dma_start3A_250 : memref<128xf32, #tpu.memory_space<vmem>>) target(%dma_start3A_255 : memref<32768xf32, #tpu.memory_space<vmem_shared>>) offsets(%dma_start3A_253 : memref<128xi32, #tpu.memory_space<vmem>>) semaphore(%arg19 : memref<!tpu.dma_semaphore, #tpu.memory_space<semaphore_mem>>) {add = true}
    %dma_start3A_256 = arith.constant 3 : i32
    %dma_start3A_257 = arith.constant 384 : i32
    %dma_start3A_258 = tpu.memref_slice %arg11[%dma_start3A_257] : memref<1024xi32, #tpu.memory_space<vmem>> -> memref<128xi32, #tpu.memory_space<vmem>>
    %dma_start3A_259 = arith.constant 0 : i32
    %dma_start3A_260 = tpu.memref_slice %arg12[%dma_start3A_256, %dma_start3A_259] : memref<8x128xi32, #tpu.memory_space<vmem>> -> memref<1x128xi32, #tpu.memory_space<vmem>>
    %dma_start3A_261 = tpu.memref_squeeze %dma_start3A_260 : memref<1x128xi32, #tpu.memory_space<vmem>> -> memref<128xi32, #tpu.memory_space<vmem>>
    %dma_start3A_262 = arith.constant 0 : i32
    %dma_start3A_263 = tpu.memref_slice %arg18[%dma_start3A_262] : memref<32768xi32, #tpu.memory_space<vmem_shared>> -> memref<32768xi32, #tpu.memory_space<vmem_shared>>
    tpu.enqueue_indirect_dma source(%dma_start3A_258 : memref<128xi32, #tpu.memory_space<vmem>>) target(%dma_start3A_263 : memref<32768xi32, #tpu.memory_space<vmem_shared>>) offsets(%dma_start3A_261 : memref<128xi32, #tpu.memory_space<vmem>>) semaphore(%arg19 : memref<!tpu.dma_semaphore, #tpu.memory_space<semaphore_mem>>) {add = true}
    %dma_start3A_264 = arith.constant 4 : i32
    %dma_start3A_265 = arith.constant 512 : i32
    %dma_start3A_266 = tpu.memref_slice %arg10[%dma_start3A_265] : memref<1024xf32, #tpu.memory_space<vmem>> -> memref<128xf32, #tpu.memory_space<vmem>>
    %dma_start3A_267 = arith.constant 0 : i32
    %dma_start3A_268 = tpu.memref_slice %arg12[%dma_start3A_264, %dma_start3A_267] : memref<8x128xi32, #tpu.memory_space<vmem>> -> memref<1x128xi32, #tpu.memory_space<vmem>>
    %dma_start3A_269 = tpu.memref_squeeze %dma_start3A_268 : memref<1x128xi32, #tpu.memory_space<vmem>> -> memref<128xi32, #tpu.memory_space<vmem>>
    %dma_start3A_270 = arith.constant 0 : i32
    %dma_start3A_271 = tpu.memref_slice %arg17[%dma_start3A_270] : memref<32768xf32, #tpu.memory_space<vmem_shared>> -> memref<32768xf32, #tpu.memory_space<vmem_shared>>
    tpu.enqueue_indirect_dma source(%dma_start3A_266 : memref<128xf32, #tpu.memory_space<vmem>>) target(%dma_start3A_271 : memref<32768xf32, #tpu.memory_space<vmem_shared>>) offsets(%dma_start3A_269 : memref<128xi32, #tpu.memory_space<vmem>>) semaphore(%arg19 : memref<!tpu.dma_semaphore, #tpu.memory_space<semaphore_mem>>) {add = true}
    %dma_start3A_272 = arith.constant 4 : i32
    %dma_start3A_273 = arith.constant 512 : i32
    %dma_start3A_274 = tpu.memref_slice %arg11[%dma_start3A_273] : memref<1024xi32, #tpu.memory_space<vmem>> -> memref<128xi32, #tpu.memory_space<vmem>>
    %dma_start3A_275 = arith.constant 0 : i32
    %dma_start3A_276 = tpu.memref_slice %arg12[%dma_start3A_272, %dma_start3A_275] : memref<8x128xi32, #tpu.memory_space<vmem>> -> memref<1x128xi32, #tpu.memory_space<vmem>>
    %dma_start3A_277 = tpu.memref_squeeze %dma_start3A_276 : memref<1x128xi32, #tpu.memory_space<vmem>> -> memref<128xi32, #tpu.memory_space<vmem>>
    %dma_start3A_278 = arith.constant 0 : i32
    %dma_start3A_279 = tpu.memref_slice %arg18[%dma_start3A_278] : memref<32768xi32, #tpu.memory_space<vmem_shared>> -> memref<32768xi32, #tpu.memory_space<vmem_shared>>
    tpu.enqueue_indirect_dma source(%dma_start3A_274 : memref<128xi32, #tpu.memory_space<vmem>>) target(%dma_start3A_279 : memref<32768xi32, #tpu.memory_space<vmem_shared>>) offsets(%dma_start3A_277 : memref<128xi32, #tpu.memory_space<vmem>>) semaphore(%arg19 : memref<!tpu.dma_semaphore, #tpu.memory_space<semaphore_mem>>) {add = true}
    %dma_start3A_280 = arith.constant 5 : i32
    %dma_start3A_281 = arith.constant 640 : i32
    %dma_start3A_282 = tpu.memref_slice %arg10[%dma_start3A_281] : memref<1024xf32, #tpu.memory_space<vmem>> -> memref<128xf32, #tpu.memory_space<vmem>>
    %dma_start3A_283 = arith.constant 0 : i32
    %dma_start3A_284 = tpu.memref_slice %arg12[%dma_start3A_280, %dma_start3A_283] : memref<8x128xi32, #tpu.memory_space<vmem>> -> memref<1x128xi32, #tpu.memory_space<vmem>>
    %dma_start3A_285 = tpu.memref_squeeze %dma_start3A_284 : memref<1x128xi32, #tpu.memory_space<vmem>> -> memref<128xi32, #tpu.memory_space<vmem>>
    %dma_start3A_286 = arith.constant 0 : i32
    %dma_start3A_287 = tpu.memref_slice %arg17[%dma_start3A_286] : memref<32768xf32, #tpu.memory_space<vmem_shared>> -> memref<32768xf32, #tpu.memory_space<vmem_shared>>
    tpu.enqueue_indirect_dma source(%dma_start3A_282 : memref<128xf32, #tpu.memory_space<vmem>>) target(%dma_start3A_287 : memref<32768xf32, #tpu.memory_space<vmem_shared>>) offsets(%dma_start3A_285 : memref<128xi32, #tpu.memory_space<vmem>>) semaphore(%arg19 : memref<!tpu.dma_semaphore, #tpu.memory_space<semaphore_mem>>) {add = true}
    %dma_start3A_288 = arith.constant 5 : i32
    %dma_start3A_289 = arith.constant 640 : i32
    %dma_start3A_290 = tpu.memref_slice %arg11[%dma_start3A_289] : memref<1024xi32, #tpu.memory_space<vmem>> -> memref<128xi32, #tpu.memory_space<vmem>>
    %dma_start3A_291 = arith.constant 0 : i32
    %dma_start3A_292 = tpu.memref_slice %arg12[%dma_start3A_288, %dma_start3A_291] : memref<8x128xi32, #tpu.memory_space<vmem>> -> memref<1x128xi32, #tpu.memory_space<vmem>>
    %dma_start3A_293 = tpu.memref_squeeze %dma_start3A_292 : memref<1x128xi32, #tpu.memory_space<vmem>> -> memref<128xi32, #tpu.memory_space<vmem>>
    %dma_start3A_294 = arith.constant 0 : i32
    %dma_start3A_295 = tpu.memref_slice %arg18[%dma_start3A_294] : memref<32768xi32, #tpu.memory_space<vmem_shared>> -> memref<32768xi32, #tpu.memory_space<vmem_shared>>
    tpu.enqueue_indirect_dma source(%dma_start3A_290 : memref<128xi32, #tpu.memory_space<vmem>>) target(%dma_start3A_295 : memref<32768xi32, #tpu.memory_space<vmem_shared>>) offsets(%dma_start3A_293 : memref<128xi32, #tpu.memory_space<vmem>>) semaphore(%arg19 : memref<!tpu.dma_semaphore, #tpu.memory_space<semaphore_mem>>) {add = true}
    %dma_start3A_296 = arith.constant 6 : i32
    %dma_start3A_297 = arith.constant 768 : i32
    %dma_start3A_298 = tpu.memref_slice %arg10[%dma_start3A_297] : memref<1024xf32, #tpu.memory_space<vmem>> -> memref<128xf32, #tpu.memory_space<vmem>>
    %dma_start3A_299 = arith.constant 0 : i32
    %dma_start3A_300 = tpu.memref_slice %arg12[%dma_start3A_296, %dma_start3A_299] : memref<8x128xi32, #tpu.memory_space<vmem>> -> memref<1x128xi32, #tpu.memory_space<vmem>>
    %dma_start3A_301 = tpu.memref_squeeze %dma_start3A_300 : memref<1x128xi32, #tpu.memory_space<vmem>> -> memref<128xi32, #tpu.memory_space<vmem>>
    %dma_start3A_302 = arith.constant 0 : i32
    %dma_start3A_303 = tpu.memref_slice %arg17[%dma_start3A_302] : memref<32768xf32, #tpu.memory_space<vmem_shared>> -> memref<32768xf32, #tpu.memory_space<vmem_shared>>
    tpu.enqueue_indirect_dma source(%dma_start3A_298 : memref<128xf32, #tpu.memory_space<vmem>>) target(%dma_start3A_303 : memref<32768xf32, #tpu.memory_space<vmem_shared>>) offsets(%dma_start3A_301 : memref<128xi32, #tpu.memory_space<vmem>>) semaphore(%arg19 : memref<!tpu.dma_semaphore, #tpu.memory_space<semaphore_mem>>) {add = true}
    %dma_start3A_304 = arith.constant 6 : i32
    %dma_start3A_305 = arith.constant 768 : i32
    %dma_start3A_306 = tpu.memref_slice %arg11[%dma_start3A_305] : memref<1024xi32, #tpu.memory_space<vmem>> -> memref<128xi32, #tpu.memory_space<vmem>>
    %dma_start3A_307 = arith.constant 0 : i32
    %dma_start3A_308 = tpu.memref_slice %arg12[%dma_start3A_304, %dma_start3A_307] : memref<8x128xi32, #tpu.memory_space<vmem>> -> memref<1x128xi32, #tpu.memory_space<vmem>>
    %dma_start3A_309 = tpu.memref_squeeze %dma_start3A_308 : memref<1x128xi32, #tpu.memory_space<vmem>> -> memref<128xi32, #tpu.memory_space<vmem>>
    %dma_start3A_310 = arith.constant 0 : i32
    %dma_start3A_311 = tpu.memref_slice %arg18[%dma_start3A_310] : memref<32768xi32, #tpu.memory_space<vmem_shared>> -> memref<32768xi32, #tpu.memory_space<vmem_shared>>
    tpu.enqueue_indirect_dma source(%dma_start3A_306 : memref<128xi32, #tpu.memory_space<vmem>>) target(%dma_start3A_311 : memref<32768xi32, #tpu.memory_space<vmem_shared>>) offsets(%dma_start3A_309 : memref<128xi32, #tpu.memory_space<vmem>>) semaphore(%arg19 : memref<!tpu.dma_semaphore, #tpu.memory_space<semaphore_mem>>) {add = true}
    %dma_start3A_312 = arith.constant 7 : i32
    %dma_start3A_313 = arith.constant 896 : i32
    %dma_start3A_314 = tpu.memref_slice %arg10[%dma_start3A_313] : memref<1024xf32, #tpu.memory_space<vmem>> -> memref<128xf32, #tpu.memory_space<vmem>>
    %dma_start3A_315 = arith.constant 0 : i32
    %dma_start3A_316 = tpu.memref_slice %arg12[%dma_start3A_312, %dma_start3A_315] : memref<8x128xi32, #tpu.memory_space<vmem>> -> memref<1x128xi32, #tpu.memory_space<vmem>>
    %dma_start3A_317 = tpu.memref_squeeze %dma_start3A_316 : memref<1x128xi32, #tpu.memory_space<vmem>> -> memref<128xi32, #tpu.memory_space<vmem>>
    %dma_start3A_318 = arith.constant 0 : i32
    %dma_start3A_319 = tpu.memref_slice %arg17[%dma_start3A_318] : memref<32768xf32, #tpu.memory_space<vmem_shared>> -> memref<32768xf32, #tpu.memory_space<vmem_shared>>
    tpu.enqueue_indirect_dma source(%dma_start3A_314 : memref<128xf32, #tpu.memory_space<vmem>>) target(%dma_start3A_319 : memref<32768xf32, #tpu.memory_space<vmem_shared>>) offsets(%dma_start3A_317 : memref<128xi32, #tpu.memory_space<vmem>>) semaphore(%arg19 : memref<!tpu.dma_semaphore, #tpu.memory_space<semaphore_mem>>) {add = true}
    %dma_start3A_320 = arith.constant 7 : i32
    %dma_start3A_321 = arith.constant 896 : i32
    %dma_start3A_322 = tpu.memref_slice %arg11[%dma_start3A_321] : memref<1024xi32, #tpu.memory_space<vmem>> -> memref<128xi32, #tpu.memory_space<vmem>>
    %dma_start3A_323 = arith.constant 0 : i32
    %dma_start3A_324 = tpu.memref_slice %arg12[%dma_start3A_320, %dma_start3A_323] : memref<8x128xi32, #tpu.memory_space<vmem>> -> memref<1x128xi32, #tpu.memory_space<vmem>>
    %dma_start3A_325 = tpu.memref_squeeze %dma_start3A_324 : memref<1x128xi32, #tpu.memory_space<vmem>> -> memref<128xi32, #tpu.memory_space<vmem>>
    %dma_start3A_326 = arith.constant 0 : i32
    %dma_start3A_327 = tpu.memref_slice %arg18[%dma_start3A_326] : memref<32768xi32, #tpu.memory_space<vmem_shared>> -> memref<32768xi32, #tpu.memory_space<vmem_shared>>
    tpu.enqueue_indirect_dma source(%dma_start3A_322 : memref<128xi32, #tpu.memory_space<vmem>>) target(%dma_start3A_327 : memref<32768xi32, #tpu.memory_space<vmem_shared>>) offsets(%dma_start3A_325 : memref<128xi32, #tpu.memory_space<vmem>>) semaphore(%arg19 : memref<!tpu.dma_semaphore, #tpu.memory_space<semaphore_mem>>) {add = true}
    %dma_wait3A_328 = arith.constant 0 : i32
    %dma_wait3A_329 = arith.constant 0 : i32
    %dma_wait3A_330 = tpu.memref_slice %arg10[%dma_wait3A_329] : memref<1024xf32, #tpu.memory_space<vmem>> -> memref<128xf32, #tpu.memory_space<vmem>>
    %dma_wait3A_331 = arith.constant 0 : i32
    %dma_wait3A_332 = tpu.memref_slice %arg12[%dma_wait3A_328, %dma_wait3A_331] : memref<8x128xi32, #tpu.memory_space<vmem>> -> memref<1x128xi32, #tpu.memory_space<vmem>>
    %dma_wait3A_333 = tpu.memref_squeeze %dma_wait3A_332 : memref<1x128xi32, #tpu.memory_space<vmem>> -> memref<128xi32, #tpu.memory_space<vmem>>
    %dma_wait3A_334 = arith.constant 0 : i32
    %dma_wait3A_335 = tpu.memref_slice %arg17[%dma_wait3A_334] : memref<32768xf32, #tpu.memory_space<vmem_shared>> -> memref<32768xf32, #tpu.memory_space<vmem_shared>>
    tpu.wait_indirect_dma semaphore(%arg19 : memref<!tpu.dma_semaphore, #tpu.memory_space<semaphore_mem>>) src(%dma_wait3A_330 : memref<128xf32, #tpu.memory_space<vmem>>) dst(%dma_wait3A_335 : memref<32768xf32, #tpu.memory_space<vmem_shared>>)
    %dma_wait3A_336 = arith.constant 0 : i32
    %dma_wait3A_337 = arith.constant 0 : i32
    %dma_wait3A_338 = tpu.memref_slice %arg11[%dma_wait3A_337] : memref<1024xi32, #tpu.memory_space<vmem>> -> memref<128xi32, #tpu.memory_space<vmem>>
    %dma_wait3A_339 = arith.constant 0 : i32
    %dma_wait3A_340 = tpu.memref_slice %arg12[%dma_wait3A_336, %dma_wait3A_339] : memref<8x128xi32, #tpu.memory_space<vmem>> -> memref<1x128xi32, #tpu.memory_space<vmem>>
    %dma_wait3A_341 = tpu.memref_squeeze %dma_wait3A_340 : memref<1x128xi32, #tpu.memory_space<vmem>> -> memref<128xi32, #tpu.memory_space<vmem>>
    %dma_wait3A_342 = arith.constant 0 : i32
    %dma_wait3A_343 = tpu.memref_slice %arg18[%dma_wait3A_342] : memref<32768xi32, #tpu.memory_space<vmem_shared>> -> memref<32768xi32, #tpu.memory_space<vmem_shared>>
    tpu.wait_indirect_dma semaphore(%arg19 : memref<!tpu.dma_semaphore, #tpu.memory_space<semaphore_mem>>) src(%dma_wait3A_338 : memref<128xi32, #tpu.memory_space<vmem>>) dst(%dma_wait3A_343 : memref<32768xi32, #tpu.memory_space<vmem_shared>>)
    %dma_wait3A_344 = arith.constant 1 : i32
    %dma_wait3A_345 = arith.constant 128 : i32
    %dma_wait3A_346 = tpu.memref_slice %arg10[%dma_wait3A_345] : memref<1024xf32, #tpu.memory_space<vmem>> -> memref<128xf32, #tpu.memory_space<vmem>>
    %dma_wait3A_347 = arith.constant 0 : i32
    %dma_wait3A_348 = tpu.memref_slice %arg12[%dma_wait3A_344, %dma_wait3A_347] : memref<8x128xi32, #tpu.memory_space<vmem>> -> memref<1x128xi32, #tpu.memory_space<vmem>>
    %dma_wait3A_349 = tpu.memref_squeeze %dma_wait3A_348 : memref<1x128xi32, #tpu.memory_space<vmem>> -> memref<128xi32, #tpu.memory_space<vmem>>
    %dma_wait3A_350 = arith.constant 0 : i32
    %dma_wait3A_351 = tpu.memref_slice %arg17[%dma_wait3A_350] : memref<32768xf32, #tpu.memory_space<vmem_shared>> -> memref<32768xf32, #tpu.memory_space<vmem_shared>>
    tpu.wait_indirect_dma semaphore(%arg19 : memref<!tpu.dma_semaphore, #tpu.memory_space<semaphore_mem>>) src(%dma_wait3A_346 : memref<128xf32, #tpu.memory_space<vmem>>) dst(%dma_wait3A_351 : memref<32768xf32, #tpu.memory_space<vmem_shared>>)
    %dma_wait3A_352 = arith.constant 1 : i32
    %dma_wait3A_353 = arith.constant 128 : i32
    %dma_wait3A_354 = tpu.memref_slice %arg11[%dma_wait3A_353] : memref<1024xi32, #tpu.memory_space<vmem>> -> memref<128xi32, #tpu.memory_space<vmem>>
    %dma_wait3A_355 = arith.constant 0 : i32
    %dma_wait3A_356 = tpu.memref_slice %arg12[%dma_wait3A_352, %dma_wait3A_355] : memref<8x128xi32, #tpu.memory_space<vmem>> -> memref<1x128xi32, #tpu.memory_space<vmem>>
    %dma_wait3A_357 = tpu.memref_squeeze %dma_wait3A_356 : memref<1x128xi32, #tpu.memory_space<vmem>> -> memref<128xi32, #tpu.memory_space<vmem>>
    %dma_wait3A_358 = arith.constant 0 : i32
    %dma_wait3A_359 = tpu.memref_slice %arg18[%dma_wait3A_358] : memref<32768xi32, #tpu.memory_space<vmem_shared>> -> memref<32768xi32, #tpu.memory_space<vmem_shared>>
    tpu.wait_indirect_dma semaphore(%arg19 : memref<!tpu.dma_semaphore, #tpu.memory_space<semaphore_mem>>) src(%dma_wait3A_354 : memref<128xi32, #tpu.memory_space<vmem>>) dst(%dma_wait3A_359 : memref<32768xi32, #tpu.memory_space<vmem_shared>>)
    %dma_wait3A_360 = arith.constant 2 : i32
    %dma_wait3A_361 = arith.constant 256 : i32
    %dma_wait3A_362 = tpu.memref_slice %arg10[%dma_wait3A_361] : memref<1024xf32, #tpu.memory_space<vmem>> -> memref<128xf32, #tpu.memory_space<vmem>>
    %dma_wait3A_363 = arith.constant 0 : i32
    %dma_wait3A_364 = tpu.memref_slice %arg12[%dma_wait3A_360, %dma_wait3A_363] : memref<8x128xi32, #tpu.memory_space<vmem>> -> memref<1x128xi32, #tpu.memory_space<vmem>>
    %dma_wait3A_365 = tpu.memref_squeeze %dma_wait3A_364 : memref<1x128xi32, #tpu.memory_space<vmem>> -> memref<128xi32, #tpu.memory_space<vmem>>
    %dma_wait3A_366 = arith.constant 0 : i32
    %dma_wait3A_367 = tpu.memref_slice %arg17[%dma_wait3A_366] : memref<32768xf32, #tpu.memory_space<vmem_shared>> -> memref<32768xf32, #tpu.memory_space<vmem_shared>>
    tpu.wait_indirect_dma semaphore(%arg19 : memref<!tpu.dma_semaphore, #tpu.memory_space<semaphore_mem>>) src(%dma_wait3A_362 : memref<128xf32, #tpu.memory_space<vmem>>) dst(%dma_wait3A_367 : memref<32768xf32, #tpu.memory_space<vmem_shared>>)
    %dma_wait3A_368 = arith.constant 2 : i32
    %dma_wait3A_369 = arith.constant 256 : i32
    %dma_wait3A_370 = tpu.memref_slice %arg11[%dma_wait3A_369] : memref<1024xi32, #tpu.memory_space<vmem>> -> memref<128xi32, #tpu.memory_space<vmem>>
    %dma_wait3A_371 = arith.constant 0 : i32
    %dma_wait3A_372 = tpu.memref_slice %arg12[%dma_wait3A_368, %dma_wait3A_371] : memref<8x128xi32, #tpu.memory_space<vmem>> -> memref<1x128xi32, #tpu.memory_space<vmem>>
    %dma_wait3A_373 = tpu.memref_squeeze %dma_wait3A_372 : memref<1x128xi32, #tpu.memory_space<vmem>> -> memref<128xi32, #tpu.memory_space<vmem>>
    %dma_wait3A_374 = arith.constant 0 : i32
    %dma_wait3A_375 = tpu.memref_slice %arg18[%dma_wait3A_374] : memref<32768xi32, #tpu.memory_space<vmem_shared>> -> memref<32768xi32, #tpu.memory_space<vmem_shared>>
    tpu.wait_indirect_dma semaphore(%arg19 : memref<!tpu.dma_semaphore, #tpu.memory_space<semaphore_mem>>) src(%dma_wait3A_370 : memref<128xi32, #tpu.memory_space<vmem>>) dst(%dma_wait3A_375 : memref<32768xi32, #tpu.memory_space<vmem_shared>>)
    %dma_wait3A_376 = arith.constant 3 : i32
    %dma_wait3A_377 = arith.constant 384 : i32
    %dma_wait3A_378 = tpu.memref_slice %arg10[%dma_wait3A_377] : memref<1024xf32, #tpu.memory_space<vmem>> -> memref<128xf32, #tpu.memory_space<vmem>>
    %dma_wait3A_379 = arith.constant 0 : i32
    %dma_wait3A_380 = tpu.memref_slice %arg12[%dma_wait3A_376, %dma_wait3A_379] : memref<8x128xi32, #tpu.memory_space<vmem>> -> memref<1x128xi32, #tpu.memory_space<vmem>>
    %dma_wait3A_381 = tpu.memref_squeeze %dma_wait3A_380 : memref<1x128xi32, #tpu.memory_space<vmem>> -> memref<128xi32, #tpu.memory_space<vmem>>
    %dma_wait3A_382 = arith.constant 0 : i32
    %dma_wait3A_383 = tpu.memref_slice %arg17[%dma_wait3A_382] : memref<32768xf32, #tpu.memory_space<vmem_shared>> -> memref<32768xf32, #tpu.memory_space<vmem_shared>>
    tpu.wait_indirect_dma semaphore(%arg19 : memref<!tpu.dma_semaphore, #tpu.memory_space<semaphore_mem>>) src(%dma_wait3A_378 : memref<128xf32, #tpu.memory_space<vmem>>) dst(%dma_wait3A_383 : memref<32768xf32, #tpu.memory_space<vmem_shared>>)
    %dma_wait3A_384 = arith.constant 3 : i32
    %dma_wait3A_385 = arith.constant 384 : i32
    %dma_wait3A_386 = tpu.memref_slice %arg11[%dma_wait3A_385] : memref<1024xi32, #tpu.memory_space<vmem>> -> memref<128xi32, #tpu.memory_space<vmem>>
    %dma_wait3A_387 = arith.constant 0 : i32
    %dma_wait3A_388 = tpu.memref_slice %arg12[%dma_wait3A_384, %dma_wait3A_387] : memref<8x128xi32, #tpu.memory_space<vmem>> -> memref<1x128xi32, #tpu.memory_space<vmem>>
    %dma_wait3A_389 = tpu.memref_squeeze %dma_wait3A_388 : memref<1x128xi32, #tpu.memory_space<vmem>> -> memref<128xi32, #tpu.memory_space<vmem>>
    %dma_wait3A_390 = arith.constant 0 : i32
    %dma_wait3A_391 = tpu.memref_slice %arg18[%dma_wait3A_390] : memref<32768xi32, #tpu.memory_space<vmem_shared>> -> memref<32768xi32, #tpu.memory_space<vmem_shared>>
    tpu.wait_indirect_dma semaphore(%arg19 : memref<!tpu.dma_semaphore, #tpu.memory_space<semaphore_mem>>) src(%dma_wait3A_386 : memref<128xi32, #tpu.memory_space<vmem>>) dst(%dma_wait3A_391 : memref<32768xi32, #tpu.memory_space<vmem_shared>>)
    %dma_wait3A_392 = arith.constant 4 : i32
    %dma_wait3A_393 = arith.constant 512 : i32
    %dma_wait3A_394 = tpu.memref_slice %arg10[%dma_wait3A_393] : memref<1024xf32, #tpu.memory_space<vmem>> -> memref<128xf32, #tpu.memory_space<vmem>>
    %dma_wait3A_395 = arith.constant 0 : i32
    %dma_wait3A_396 = tpu.memref_slice %arg12[%dma_wait3A_392, %dma_wait3A_395] : memref<8x128xi32, #tpu.memory_space<vmem>> -> memref<1x128xi32, #tpu.memory_space<vmem>>
    %dma_wait3A_397 = tpu.memref_squeeze %dma_wait3A_396 : memref<1x128xi32, #tpu.memory_space<vmem>> -> memref<128xi32, #tpu.memory_space<vmem>>
    %dma_wait3A_398 = arith.constant 0 : i32
    %dma_wait3A_399 = tpu.memref_slice %arg17[%dma_wait3A_398] : memref<32768xf32, #tpu.memory_space<vmem_shared>> -> memref<32768xf32, #tpu.memory_space<vmem_shared>>
    tpu.wait_indirect_dma semaphore(%arg19 : memref<!tpu.dma_semaphore, #tpu.memory_space<semaphore_mem>>) src(%dma_wait3A_394 : memref<128xf32, #tpu.memory_space<vmem>>) dst(%dma_wait3A_399 : memref<32768xf32, #tpu.memory_space<vmem_shared>>)
    %dma_wait3A_400 = arith.constant 4 : i32
    %dma_wait3A_401 = arith.constant 512 : i32
    %dma_wait3A_402 = tpu.memref_slice %arg11[%dma_wait3A_401] : memref<1024xi32, #tpu.memory_space<vmem>> -> memref<128xi32, #tpu.memory_space<vmem>>
    %dma_wait3A_403 = arith.constant 0 : i32
    %dma_wait3A_404 = tpu.memref_slice %arg12[%dma_wait3A_400, %dma_wait3A_403] : memref<8x128xi32, #tpu.memory_space<vmem>> -> memref<1x128xi32, #tpu.memory_space<vmem>>
    %dma_wait3A_405 = tpu.memref_squeeze %dma_wait3A_404 : memref<1x128xi32, #tpu.memory_space<vmem>> -> memref<128xi32, #tpu.memory_space<vmem>>
    %dma_wait3A_406 = arith.constant 0 : i32
    %dma_wait3A_407 = tpu.memref_slice %arg18[%dma_wait3A_406] : memref<32768xi32, #tpu.memory_space<vmem_shared>> -> memref<32768xi32, #tpu.memory_space<vmem_shared>>
    tpu.wait_indirect_dma semaphore(%arg19 : memref<!tpu.dma_semaphore, #tpu.memory_space<semaphore_mem>>) src(%dma_wait3A_402 : memref<128xi32, #tpu.memory_space<vmem>>) dst(%dma_wait3A_407 : memref<32768xi32, #tpu.memory_space<vmem_shared>>)
    %dma_wait3A_408 = arith.constant 5 : i32
    %dma_wait3A_409 = arith.constant 640 : i32
    %dma_wait3A_410 = tpu.memref_slice %arg10[%dma_wait3A_409] : memref<1024xf32, #tpu.memory_space<vmem>> -> memref<128xf32, #tpu.memory_space<vmem>>
    %dma_wait3A_411 = arith.constant 0 : i32
    %dma_wait3A_412 = tpu.memref_slice %arg12[%dma_wait3A_408, %dma_wait3A_411] : memref<8x128xi32, #tpu.memory_space<vmem>> -> memref<1x128xi32, #tpu.memory_space<vmem>>
    %dma_wait3A_413 = tpu.memref_squeeze %dma_wait3A_412 : memref<1x128xi32, #tpu.memory_space<vmem>> -> memref<128xi32, #tpu.memory_space<vmem>>
    %dma_wait3A_414 = arith.constant 0 : i32
    %dma_wait3A_415 = tpu.memref_slice %arg17[%dma_wait3A_414] : memref<32768xf32, #tpu.memory_space<vmem_shared>> -> memref<32768xf32, #tpu.memory_space<vmem_shared>>
    tpu.wait_indirect_dma semaphore(%arg19 : memref<!tpu.dma_semaphore, #tpu.memory_space<semaphore_mem>>) src(%dma_wait3A_410 : memref<128xf32, #tpu.memory_space<vmem>>) dst(%dma_wait3A_415 : memref<32768xf32, #tpu.memory_space<vmem_shared>>)
    %dma_wait3A_416 = arith.constant 5 : i32
    %dma_wait3A_417 = arith.constant 640 : i32
    %dma_wait3A_418 = tpu.memref_slice %arg11[%dma_wait3A_417] : memref<1024xi32, #tpu.memory_space<vmem>> -> memref<128xi32, #tpu.memory_space<vmem>>
    %dma_wait3A_419 = arith.constant 0 : i32
    %dma_wait3A_420 = tpu.memref_slice %arg12[%dma_wait3A_416, %dma_wait3A_419] : memref<8x128xi32, #tpu.memory_space<vmem>> -> memref<1x128xi32, #tpu.memory_space<vmem>>
    %dma_wait3A_421 = tpu.memref_squeeze %dma_wait3A_420 : memref<1x128xi32, #tpu.memory_space<vmem>> -> memref<128xi32, #tpu.memory_space<vmem>>
    %dma_wait3A_422 = arith.constant 0 : i32
    %dma_wait3A_423 = tpu.memref_slice %arg18[%dma_wait3A_422] : memref<32768xi32, #tpu.memory_space<vmem_shared>> -> memref<32768xi32, #tpu.memory_space<vmem_shared>>
    tpu.wait_indirect_dma semaphore(%arg19 : memref<!tpu.dma_semaphore, #tpu.memory_space<semaphore_mem>>) src(%dma_wait3A_418 : memref<128xi32, #tpu.memory_space<vmem>>) dst(%dma_wait3A_423 : memref<32768xi32, #tpu.memory_space<vmem_shared>>)
    %dma_wait3A_424 = arith.constant 6 : i32
    %dma_wait3A_425 = arith.constant 768 : i32
    %dma_wait3A_426 = tpu.memref_slice %arg10[%dma_wait3A_425] : memref<1024xf32, #tpu.memory_space<vmem>> -> memref<128xf32, #tpu.memory_space<vmem>>
    %dma_wait3A_427 = arith.constant 0 : i32
    %dma_wait3A_428 = tpu.memref_slice %arg12[%dma_wait3A_424, %dma_wait3A_427] : memref<8x128xi32, #tpu.memory_space<vmem>> -> memref<1x128xi32, #tpu.memory_space<vmem>>
    %dma_wait3A_429 = tpu.memref_squeeze %dma_wait3A_428 : memref<1x128xi32, #tpu.memory_space<vmem>> -> memref<128xi32, #tpu.memory_space<vmem>>
    %dma_wait3A_430 = arith.constant 0 : i32
    %dma_wait3A_431 = tpu.memref_slice %arg17[%dma_wait3A_430] : memref<32768xf32, #tpu.memory_space<vmem_shared>> -> memref<32768xf32, #tpu.memory_space<vmem_shared>>
    tpu.wait_indirect_dma semaphore(%arg19 : memref<!tpu.dma_semaphore, #tpu.memory_space<semaphore_mem>>) src(%dma_wait3A_426 : memref<128xf32, #tpu.memory_space<vmem>>) dst(%dma_wait3A_431 : memref<32768xf32, #tpu.memory_space<vmem_shared>>)
    %dma_wait3A_432 = arith.constant 6 : i32
    %dma_wait3A_433 = arith.constant 768 : i32
    %dma_wait3A_434 = tpu.memref_slice %arg11[%dma_wait3A_433] : memref<1024xi32, #tpu.memory_space<vmem>> -> memref<128xi32, #tpu.memory_space<vmem>>
    %dma_wait3A_435 = arith.constant 0 : i32
    %dma_wait3A_436 = tpu.memref_slice %arg12[%dma_wait3A_432, %dma_wait3A_435] : memref<8x128xi32, #tpu.memory_space<vmem>> -> memref<1x128xi32, #tpu.memory_space<vmem>>
    %dma_wait3A_437 = tpu.memref_squeeze %dma_wait3A_436 : memref<1x128xi32, #tpu.memory_space<vmem>> -> memref<128xi32, #tpu.memory_space<vmem>>
    %dma_wait3A_438 = arith.constant 0 : i32
    %dma_wait3A_439 = tpu.memref_slice %arg18[%dma_wait3A_438] : memref<32768xi32, #tpu.memory_space<vmem_shared>> -> memref<32768xi32, #tpu.memory_space<vmem_shared>>
    tpu.wait_indirect_dma semaphore(%arg19 : memref<!tpu.dma_semaphore, #tpu.memory_space<semaphore_mem>>) src(%dma_wait3A_434 : memref<128xi32, #tpu.memory_space<vmem>>) dst(%dma_wait3A_439 : memref<32768xi32, #tpu.memory_space<vmem_shared>>)
    %dma_wait3A_440 = arith.constant 7 : i32
    %dma_wait3A_441 = arith.constant 896 : i32
    %dma_wait3A_442 = tpu.memref_slice %arg10[%dma_wait3A_441] : memref<1024xf32, #tpu.memory_space<vmem>> -> memref<128xf32, #tpu.memory_space<vmem>>
    %dma_wait3A_443 = arith.constant 0 : i32
    %dma_wait3A_444 = tpu.memref_slice %arg12[%dma_wait3A_440, %dma_wait3A_443] : memref<8x128xi32, #tpu.memory_space<vmem>> -> memref<1x128xi32, #tpu.memory_space<vmem>>
    %dma_wait3A_445 = tpu.memref_squeeze %dma_wait3A_444 : memref<1x128xi32, #tpu.memory_space<vmem>> -> memref<128xi32, #tpu.memory_space<vmem>>
    %dma_wait3A_446 = arith.constant 0 : i32
    %dma_wait3A_447 = tpu.memref_slice %arg17[%dma_wait3A_446] : memref<32768xf32, #tpu.memory_space<vmem_shared>> -> memref<32768xf32, #tpu.memory_space<vmem_shared>>
    tpu.wait_indirect_dma semaphore(%arg19 : memref<!tpu.dma_semaphore, #tpu.memory_space<semaphore_mem>>) src(%dma_wait3A_442 : memref<128xf32, #tpu.memory_space<vmem>>) dst(%dma_wait3A_447 : memref<32768xf32, #tpu.memory_space<vmem_shared>>)
    %dma_wait3A_448 = arith.constant 7 : i32
    %dma_wait3A_449 = arith.constant 896 : i32
    %dma_wait3A_450 = tpu.memref_slice %arg11[%dma_wait3A_449] : memref<1024xi32, #tpu.memory_space<vmem>> -> memref<128xi32, #tpu.memory_space<vmem>>
    %dma_wait3A_451 = arith.constant 0 : i32
    %dma_wait3A_452 = tpu.memref_slice %arg12[%dma_wait3A_448, %dma_wait3A_451] : memref<8x128xi32, #tpu.memory_space<vmem>> -> memref<1x128xi32, #tpu.memory_space<vmem>>
    %dma_wait3A_453 = tpu.memref_squeeze %dma_wait3A_452 : memref<1x128xi32, #tpu.memory_space<vmem>> -> memref<128xi32, #tpu.memory_space<vmem>>
    %dma_wait3A_454 = arith.constant 0 : i32
    %dma_wait3A_455 = tpu.memref_slice %arg18[%dma_wait3A_454] : memref<32768xi32, #tpu.memory_space<vmem_shared>> -> memref<32768xi32, #tpu.memory_space<vmem_shared>>
    tpu.wait_indirect_dma semaphore(%arg19 : memref<!tpu.dma_semaphore, #tpu.memory_space<semaphore_mem>>) src(%dma_wait3A_450 : memref<128xi32, #tpu.memory_space<vmem>>) dst(%dma_wait3A_455 : memref<32768xi32, #tpu.memory_space<vmem_shared>>)
    %barrier3A_456 = arith.constant 0 : index
    tpu.barrier barrier_id(%barrier3A_456)
    %eq3A = arith.constant 0 : i32
    %eq3A_457 = arith.cmpi eq, %arg0, %eq3A : i32
    %convert_element_type3A_458 = arith.extui %eq3A_457 : i1 to i32
    %cond3A = arith.constant 0 : i32
    %cond3A_459 = arith.cmpi ne, %convert_element_type3A_458, %cond3A : i32
    scf.if %cond3A_459 {
      %dma_start3A_465 = tpu.memref_slice %arg5[%mul3A_54] : memref<32768xf32, #tpu.memory_space<hbm>> -> memref<2048xf32, #tpu.memory_space<hbm>>
      %dma_start3A_466 = tpu.memref_slice %arg17[%mul3A_54] : memref<32768xf32, #tpu.memory_space<vmem_shared>> -> memref<2048xf32, #tpu.memory_space<vmem_shared>>
      tpu.enqueue_dma source(%dma_start3A_466 : memref<2048xf32, #tpu.memory_space<vmem_shared>>) target(%dma_start3A_465 : memref<2048xf32, #tpu.memory_space<hbm>>) target_semaphore(%arg21 : memref<!tpu.dma_semaphore, #tpu.memory_space<semaphore_mem>>)
      %dma_start3A_467 = tpu.memref_slice %arg6[%mul3A_54] : memref<32768xi32, #tpu.memory_space<hbm>> -> memref<2048xi32, #tpu.memory_space<hbm>>
      %dma_start3A_468 = tpu.memref_slice %arg18[%mul3A_54] : memref<32768xi32, #tpu.memory_space<vmem_shared>> -> memref<2048xi32, #tpu.memory_space<vmem_shared>>
      tpu.enqueue_dma source(%dma_start3A_468 : memref<2048xi32, #tpu.memory_space<vmem_shared>>) target(%dma_start3A_467 : memref<2048xi32, #tpu.memory_space<hbm>>) target_semaphore(%arg22 : memref<!tpu.dma_semaphore, #tpu.memory_space<semaphore_mem>>)
      %dma_wait3A_469 = tpu.memref_slice %arg5[%mul3A_54] : memref<32768xf32, #tpu.memory_space<hbm>> -> memref<2048xf32, #tpu.memory_space<hbm>>
      %dma_wait3A_470 = tpu.memref_slice %arg17[%mul3A_54] : memref<32768xf32, #tpu.memory_space<vmem_shared>> -> memref<2048xf32, #tpu.memory_space<vmem_shared>>
      tpu.wait_dma2 semaphore(%arg21 : memref<!tpu.dma_semaphore, #tpu.memory_space<semaphore_mem>>) src(%dma_wait3A_470 : memref<2048xf32, #tpu.memory_space<vmem_shared>>) dst(%dma_wait3A_469 : memref<2048xf32, #tpu.memory_space<hbm>>)
      %dma_wait3A_471 = tpu.memref_slice %arg6[%mul3A_54] : memref<32768xi32, #tpu.memory_space<hbm>> -> memref<2048xi32, #tpu.memory_space<hbm>>
      %dma_wait3A_472 = tpu.memref_slice %arg18[%mul3A_54] : memref<32768xi32, #tpu.memory_space<vmem_shared>> -> memref<2048xi32, #tpu.memory_space<vmem_shared>>
      tpu.wait_dma2 semaphore(%arg22 : memref<!tpu.dma_semaphore, #tpu.memory_space<semaphore_mem>>) src(%dma_wait3A_472 : memref<2048xi32, #tpu.memory_space<vmem_shared>>) dst(%dma_wait3A_471 : memref<2048xi32, #tpu.memory_space<hbm>>)
    } else {
    }
    %eq3A_460 = arith.constant 1 : i32
    %eq3A_461 = arith.cmpi eq, %arg0, %eq3A_460 : i32
    %convert_element_type3A_462 = arith.extui %eq3A_461 : i1 to i32
    %cond3A_463 = arith.constant 0 : i32
    %cond3A_464 = arith.cmpi ne, %convert_element_type3A_462, %cond3A_463 : i32
    scf.if %cond3A_464 {
      %dma_start3A_465 = tpu.memref_slice %arg7[%mul3A_54] : memref<32768xf32, #tpu.memory_space<hbm>> -> memref<2048xf32, #tpu.memory_space<hbm>>
      %dma_start3A_466 = tpu.memref_slice %arg17[%mul3A_54] : memref<32768xf32, #tpu.memory_space<vmem_shared>> -> memref<2048xf32, #tpu.memory_space<vmem_shared>>
      tpu.enqueue_dma source(%dma_start3A_466 : memref<2048xf32, #tpu.memory_space<vmem_shared>>) target(%dma_start3A_465 : memref<2048xf32, #tpu.memory_space<hbm>>) target_semaphore(%arg21 : memref<!tpu.dma_semaphore, #tpu.memory_space<semaphore_mem>>)
      %dma_start3A_467 = tpu.memref_slice %arg8[%mul3A_54] : memref<32768xi32, #tpu.memory_space<hbm>> -> memref<2048xi32, #tpu.memory_space<hbm>>
      %dma_start3A_468 = tpu.memref_slice %arg18[%mul3A_54] : memref<32768xi32, #tpu.memory_space<vmem_shared>> -> memref<2048xi32, #tpu.memory_space<vmem_shared>>
      tpu.enqueue_dma source(%dma_start3A_468 : memref<2048xi32, #tpu.memory_space<vmem_shared>>) target(%dma_start3A_467 : memref<2048xi32, #tpu.memory_space<hbm>>) target_semaphore(%arg22 : memref<!tpu.dma_semaphore, #tpu.memory_space<semaphore_mem>>)
      %dma_wait3A_469 = tpu.memref_slice %arg7[%mul3A_54] : memref<32768xf32, #tpu.memory_space<hbm>> -> memref<2048xf32, #tpu.memory_space<hbm>>
      %dma_wait3A_470 = tpu.memref_slice %arg17[%mul3A_54] : memref<32768xf32, #tpu.memory_space<vmem_shared>> -> memref<2048xf32, #tpu.memory_space<vmem_shared>>
      tpu.wait_dma2 semaphore(%arg21 : memref<!tpu.dma_semaphore, #tpu.memory_space<semaphore_mem>>) src(%dma_wait3A_470 : memref<2048xf32, #tpu.memory_space<vmem_shared>>) dst(%dma_wait3A_469 : memref<2048xf32, #tpu.memory_space<hbm>>)
      %dma_wait3A_471 = tpu.memref_slice %arg8[%mul3A_54] : memref<32768xi32, #tpu.memory_space<hbm>> -> memref<2048xi32, #tpu.memory_space<hbm>>
      %dma_wait3A_472 = tpu.memref_slice %arg18[%mul3A_54] : memref<32768xi32, #tpu.memory_space<vmem_shared>> -> memref<2048xi32, #tpu.memory_space<vmem_shared>>
      tpu.wait_dma2 semaphore(%arg22 : memref<!tpu.dma_semaphore, #tpu.memory_space<semaphore_mem>>) src(%dma_wait3A_472 : memref<2048xi32, #tpu.memory_space<vmem_shared>>) dst(%dma_wait3A_471 : memref<2048xi32, #tpu.memory_space<hbm>>)
    } else {
    }
    return
  }
}

module attributes {stable_mosaic.version = 14 : i64} {
  func.func @_hist_body(%arg0: memref<256x128xi32, #tpu.memory_space<vmem>>, %arg1: memref<32x128xf32, #tpu.memory_space<vmem>>, %arg2: memref<1x16xf32, #tpu.memory_space<vmem>>, %arg3: memref<32x16xf32, #tpu.memory_space<vmem>>) attributes {dimension_semantics = [], scalar_prefetch = 0 : i64, scratch_operands = 1 : i64, tpu.core_type = #tpu.core_type<tc>} {
    %get3A = arith.constant 0 : index
    %get3A_0 = arith.constant 0 : index
    %get3A_1 = vector.load %arg0[%get3A, %get3A_0] : memref<256x128xi32, #tpu.memory_space<vmem>>, vector<256x128xi32>
    %iota3A = tpu.iota {dimensions = array<i32: 0>} : vector<32x256xi32>
    %iota3A_2 = tpu.iota {dimensions = array<i32: 1>} : vector<32x256xi32>
    %shift_right_logical3A = arith.constant 3 : i32
    %shift_right_logical3A_3 = vector.broadcast %shift_right_logical3A : i32 to vector<32x256xi32>
    %shift_right_logical3A_4 = arith.shrui %iota3A_2, %shift_right_logical3A_3 : vector<32x256xi32>
    %eq3A = arith.cmpi eq, %shift_right_logical3A_4, %iota3A : vector<32x256xi32>
    %convert_element_type3A = arith.extui %eq3A : vector<32x256xi1> to vector<32x256xi32>
    %convert_element_type3A_5 = arith.sitofp %convert_element_type3A : vector<32x256xi32> to vector<32x256xf32>
    %eq3A_6 = arith.constant 0 : i32
    %eq3A_7 = vector.broadcast %eq3A_6 : i32 to vector<256x128xi32>
    %eq3A_8 = arith.cmpi eq, %get3A_1, %eq3A_7 : vector<256x128xi32>
    %convert_element_type3A_9 = arith.extui %eq3A_8 : vector<256x128xi1> to vector<256x128xi32>
    %convert_element_type3A_10 = arith.sitofp %convert_element_type3A_9 : vector<256x128xi32> to vector<256x128xf32>
    %reduce_sum3A = arith.constant dense<0.000000e+00> : vector<256xf32>
    %reduce_sum3A_11 = vector.multi_reduction <add>, %convert_element_type3A_10, %reduce_sum3A [1] : vector<256x128xf32> to vector<256xf32>
    %broadcast_in_dim3A = vector.shape_cast %reduce_sum3A_11 : vector<256xf32> to vector<256x1xf32>
    %dot_general3A = arith.constant dense<0.000000e+00> : vector<32x1xf32>
    %dot_general3A_12 = tpu.matmul %convert_element_type3A_5, %broadcast_in_dim3A, %dot_general3A {dimension_numbers = #tpu.dot_dimension_numbers<[1], [0], [0], [1], [0, 0, 1, 1], [], []>, transpose_lhs_hint = false} : vector<32x256xf32>, vector<256x1xf32>, vector<32x1xf32> -> vector<32x1xf32>
    %swap3A = arith.constant 0 : index
    %swap3A_13 = arith.constant 0 : index
    %swap3A_14 = vector.load %arg3[%swap3A, %swap3A_13] : memref<32x16xf32, #tpu.memory_space<vmem>>, vector<32x1xf32>
    tpu.vector_store %arg3[%swap3A, %swap3A_13], %dot_general3A_12 {strides = array<i32>} : memref<32x16xf32, #tpu.memory_space<vmem>>, vector<32x1xf32>,
    %eq3A_15 = arith.constant 1 : i32
    %eq3A_16 = vector.broadcast %eq3A_15 : i32 to vector<256x128xi32>
    %eq3A_17 = arith.cmpi eq, %get3A_1, %eq3A_16 : vector<256x128xi32>
    %convert_element_type3A_18 = arith.extui %eq3A_17 : vector<256x128xi1> to vector<256x128xi32>
    %convert_element_type3A_19 = arith.sitofp %convert_element_type3A_18 : vector<256x128xi32> to vector<256x128xf32>
    %reduce_sum3A_20 = arith.constant dense<0.000000e+00> : vector<256xf32>
    %reduce_sum3A_21 = vector.multi_reduction <add>, %convert_element_type3A_19, %reduce_sum3A_20 [1] : vector<256x128xf32> to vector<256xf32>
    %broadcast_in_dim3A_22 = vector.shape_cast %reduce_sum3A_21 : vector<256xf32> to vector<256x1xf32>
    %dot_general3A_23 = arith.constant dense<0.000000e+00> : vector<32x1xf32>
    %dot_general3A_24 = tpu.matmul %convert_element_type3A_5, %broadcast_in_dim3A_22, %dot_general3A_23 {dimension_numbers = #tpu.dot_dimension_numbers<[1], [0], [0], [1], [0, 0, 1, 1], [], []>, transpose_lhs_hint = false} : vector<32x256xf32>, vector<256x1xf32>, vector<32x1xf32> -> vector<32x1xf32>
    %swap3A_25 = arith.constant 0 : index
    %swap3A_26 = arith.constant 1 : index
    %swap3A_27 = vector.load %arg3[%swap3A_25, %swap3A_26] : memref<32x16xf32, #tpu.memory_space<vmem>>, vector<32x1xf32>
    tpu.vector_store %arg3[%swap3A_25, %swap3A_26], %dot_general3A_24 {strides = array<i32>} : memref<32x16xf32, #tpu.memory_space<vmem>>, vector<32x1xf32>,
    %eq3A_28 = arith.constant 2 : i32
    %eq3A_29 = vector.broadcast %eq3A_28 : i32 to vector<256x128xi32>
    %eq3A_30 = arith.cmpi eq, %get3A_1, %eq3A_29 : vector<256x128xi32>
    %convert_element_type3A_31 = arith.extui %eq3A_30 : vector<256x128xi1> to vector<256x128xi32>
    %convert_element_type3A_32 = arith.sitofp %convert_element_type3A_31 : vector<256x128xi32> to vector<256x128xf32>
    %reduce_sum3A_33 = arith.constant dense<0.000000e+00> : vector<256xf32>
    %reduce_sum3A_34 = vector.multi_reduction <add>, %convert_element_type3A_32, %reduce_sum3A_33 [1] : vector<256x128xf32> to vector<256xf32>
    %broadcast_in_dim3A_35 = vector.shape_cast %reduce_sum3A_34 : vector<256xf32> to vector<256x1xf32>
    %dot_general3A_36 = arith.constant dense<0.000000e+00> : vector<32x1xf32>
    %dot_general3A_37 = tpu.matmul %convert_element_type3A_5, %broadcast_in_dim3A_35, %dot_general3A_36 {dimension_numbers = #tpu.dot_dimension_numbers<[1], [0], [0], [1], [0, 0, 1, 1], [], []>, transpose_lhs_hint = false} : vector<32x256xf32>, vector<256x1xf32>, vector<32x1xf32> -> vector<32x1xf32>
    %swap3A_38 = arith.constant 0 : index
    %swap3A_39 = arith.constant 2 : index
    %swap3A_40 = vector.load %arg3[%swap3A_38, %swap3A_39] : memref<32x16xf32, #tpu.memory_space<vmem>>, vector<32x1xf32>
    tpu.vector_store %arg3[%swap3A_38, %swap3A_39], %dot_general3A_37 {strides = array<i32>} : memref<32x16xf32, #tpu.memory_space<vmem>>, vector<32x1xf32>,
    %eq3A_41 = arith.constant 3 : i32
    %eq3A_42 = vector.broadcast %eq3A_41 : i32 to vector<256x128xi32>
    %eq3A_43 = arith.cmpi eq, %get3A_1, %eq3A_42 : vector<256x128xi32>
    %convert_element_type3A_44 = arith.extui %eq3A_43 : vector<256x128xi1> to vector<256x128xi32>
    %convert_element_type3A_45 = arith.sitofp %convert_element_type3A_44 : vector<256x128xi32> to vector<256x128xf32>
    %reduce_sum3A_46 = arith.constant dense<0.000000e+00> : vector<256xf32>
    %reduce_sum3A_47 = vector.multi_reduction <add>, %convert_element_type3A_45, %reduce_sum3A_46 [1] : vector<256x128xf32> to vector<256xf32>
    %broadcast_in_dim3A_48 = vector.shape_cast %reduce_sum3A_47 : vector<256xf32> to vector<256x1xf32>
    %dot_general3A_49 = arith.constant dense<0.000000e+00> : vector<32x1xf32>
    %dot_general3A_50 = tpu.matmul %convert_element_type3A_5, %broadcast_in_dim3A_48, %dot_general3A_49 {dimension_numbers = #tpu.dot_dimension_numbers<[1], [0], [0], [1], [0, 0, 1, 1], [], []>, transpose_lhs_hint = false} : vector<32x256xf32>, vector<256x1xf32>, vector<32x1xf32> -> vector<32x1xf32>
    %swap3A_51 = arith.constant 0 : index
    %swap3A_52 = arith.constant 3 : index
    %swap3A_53 = vector.load %arg3[%swap3A_51, %swap3A_52] : memref<32x16xf32, #tpu.memory_space<vmem>>, vector<32x1xf32>
    tpu.vector_store %arg3[%swap3A_51, %swap3A_52], %dot_general3A_50 {strides = array<i32>} : memref<32x16xf32, #tpu.memory_space<vmem>>, vector<32x1xf32>,
    %eq3A_54 = arith.constant 4 : i32
    %eq3A_55 = vector.broadcast %eq3A_54 : i32 to vector<256x128xi32>
    %eq3A_56 = arith.cmpi eq, %get3A_1, %eq3A_55 : vector<256x128xi32>
    %convert_element_type3A_57 = arith.extui %eq3A_56 : vector<256x128xi1> to vector<256x128xi32>
    %convert_element_type3A_58 = arith.sitofp %convert_element_type3A_57 : vector<256x128xi32> to vector<256x128xf32>
    %reduce_sum3A_59 = arith.constant dense<0.000000e+00> : vector<256xf32>
    %reduce_sum3A_60 = vector.multi_reduction <add>, %convert_element_type3A_58, %reduce_sum3A_59 [1] : vector<256x128xf32> to vector<256xf32>
    %broadcast_in_dim3A_61 = vector.shape_cast %reduce_sum3A_60 : vector<256xf32> to vector<256x1xf32>
    %dot_general3A_62 = arith.constant dense<0.000000e+00> : vector<32x1xf32>
    %dot_general3A_63 = tpu.matmul %convert_element_type3A_5, %broadcast_in_dim3A_61, %dot_general3A_62 {dimension_numbers = #tpu.dot_dimension_numbers<[1], [0], [0], [1], [0, 0, 1, 1], [], []>, transpose_lhs_hint = false} : vector<32x256xf32>, vector<256x1xf32>, vector<32x1xf32> -> vector<32x1xf32>
    %swap3A_64 = arith.constant 0 : index
    %swap3A_65 = arith.constant 4 : index
    %swap3A_66 = vector.load %arg3[%swap3A_64, %swap3A_65] : memref<32x16xf32, #tpu.memory_space<vmem>>, vector<32x1xf32>
    tpu.vector_store %arg3[%swap3A_64, %swap3A_65], %dot_general3A_63 {strides = array<i32>} : memref<32x16xf32, #tpu.memory_space<vmem>>, vector<32x1xf32>,
    %eq3A_67 = arith.constant 5 : i32
    %eq3A_68 = vector.broadcast %eq3A_67 : i32 to vector<256x128xi32>
    %eq3A_69 = arith.cmpi eq, %get3A_1, %eq3A_68 : vector<256x128xi32>
    %convert_element_type3A_70 = arith.extui %eq3A_69 : vector<256x128xi1> to vector<256x128xi32>
    %convert_element_type3A_71 = arith.sitofp %convert_element_type3A_70 : vector<256x128xi32> to vector<256x128xf32>
    %reduce_sum3A_72 = arith.constant dense<0.000000e+00> : vector<256xf32>
    %reduce_sum3A_73 = vector.multi_reduction <add>, %convert_element_type3A_71, %reduce_sum3A_72 [1] : vector<256x128xf32> to vector<256xf32>
    %broadcast_in_dim3A_74 = vector.shape_cast %reduce_sum3A_73 : vector<256xf32> to vector<256x1xf32>
    %dot_general3A_75 = arith.constant dense<0.000000e+00> : vector<32x1xf32>
    %dot_general3A_76 = tpu.matmul %convert_element_type3A_5, %broadcast_in_dim3A_74, %dot_general3A_75 {dimension_numbers = #tpu.dot_dimension_numbers<[1], [0], [0], [1], [0, 0, 1, 1], [], []>, transpose_lhs_hint = false} : vector<32x256xf32>, vector<256x1xf32>, vector<32x1xf32> -> vector<32x1xf32>
    %swap3A_77 = arith.constant 0 : index
    %swap3A_78 = arith.constant 5 : index
    %swap3A_79 = vector.load %arg3[%swap3A_77, %swap3A_78] : memref<32x16xf32, #tpu.memory_space<vmem>>, vector<32x1xf32>
    tpu.vector_store %arg3[%swap3A_77, %swap3A_78], %dot_general3A_76 {strides = array<i32>} : memref<32x16xf32, #tpu.memory_space<vmem>>, vector<32x1xf32>,
    %eq3A_80 = arith.constant 6 : i32
    %eq3A_81 = vector.broadcast %eq3A_80 : i32 to vector<256x128xi32>
    %eq3A_82 = arith.cmpi eq, %get3A_1, %eq3A_81 : vector<256x128xi32>
    %convert_element_type3A_83 = arith.extui %eq3A_82 : vector<256x128xi1> to vector<256x128xi32>
    %convert_element_type3A_84 = arith.sitofp %convert_element_type3A_83 : vector<256x128xi32> to vector<256x128xf32>
    %reduce_sum3A_85 = arith.constant dense<0.000000e+00> : vector<256xf32>
    %reduce_sum3A_86 = vector.multi_reduction <add>, %convert_element_type3A_84, %reduce_sum3A_85 [1] : vector<256x128xf32> to vector<256xf32>
    %broadcast_in_dim3A_87 = vector.shape_cast %reduce_sum3A_86 : vector<256xf32> to vector<256x1xf32>
    %dot_general3A_88 = arith.constant dense<0.000000e+00> : vector<32x1xf32>
    %dot_general3A_89 = tpu.matmul %convert_element_type3A_5, %broadcast_in_dim3A_87, %dot_general3A_88 {dimension_numbers = #tpu.dot_dimension_numbers<[1], [0], [0], [1], [0, 0, 1, 1], [], []>, transpose_lhs_hint = false} : vector<32x256xf32>, vector<256x1xf32>, vector<32x1xf32> -> vector<32x1xf32>
    %swap3A_90 = arith.constant 0 : index
    %swap3A_91 = arith.constant 6 : index
    %swap3A_92 = vector.load %arg3[%swap3A_90, %swap3A_91] : memref<32x16xf32, #tpu.memory_space<vmem>>, vector<32x1xf32>
    tpu.vector_store %arg3[%swap3A_90, %swap3A_91], %dot_general3A_89 {strides = array<i32>} : memref<32x16xf32, #tpu.memory_space<vmem>>, vector<32x1xf32>,
    %eq3A_93 = arith.constant 7 : i32
    %eq3A_94 = vector.broadcast %eq3A_93 : i32 to vector<256x128xi32>
    %eq3A_95 = arith.cmpi eq, %get3A_1, %eq3A_94 : vector<256x128xi32>
    %convert_element_type3A_96 = arith.extui %eq3A_95 : vector<256x128xi1> to vector<256x128xi32>
    %convert_element_type3A_97 = arith.sitofp %convert_element_type3A_96 : vector<256x128xi32> to vector<256x128xf32>
    %reduce_sum3A_98 = arith.constant dense<0.000000e+00> : vector<256xf32>
    %reduce_sum3A_99 = vector.multi_reduction <add>, %convert_element_type3A_97, %reduce_sum3A_98 [1] : vector<256x128xf32> to vector<256xf32>
    %broadcast_in_dim3A_100 = vector.shape_cast %reduce_sum3A_99 : vector<256xf32> to vector<256x1xf32>
    %dot_general3A_101 = arith.constant dense<0.000000e+00> : vector<32x1xf32>
    %dot_general3A_102 = tpu.matmul %convert_element_type3A_5, %broadcast_in_dim3A_100, %dot_general3A_101 {dimension_numbers = #tpu.dot_dimension_numbers<[1], [0], [0], [1], [0, 0, 1, 1], [], []>, transpose_lhs_hint = false} : vector<32x256xf32>, vector<256x1xf32>, vector<32x1xf32> -> vector<32x1xf32>
    %swap3A_103 = arith.constant 0 : index
    %swap3A_104 = arith.constant 7 : index
    %swap3A_105 = vector.load %arg3[%swap3A_103, %swap3A_104] : memref<32x16xf32, #tpu.memory_space<vmem>>, vector<32x1xf32>
    tpu.vector_store %arg3[%swap3A_103, %swap3A_104], %dot_general3A_102 {strides = array<i32>} : memref<32x16xf32, #tpu.memory_space<vmem>>, vector<32x1xf32>,
    %eq3A_106 = arith.constant 8 : i32
    %eq3A_107 = vector.broadcast %eq3A_106 : i32 to vector<256x128xi32>
    %eq3A_108 = arith.cmpi eq, %get3A_1, %eq3A_107 : vector<256x128xi32>
    %convert_element_type3A_109 = arith.extui %eq3A_108 : vector<256x128xi1> to vector<256x128xi32>
    %convert_element_type3A_110 = arith.sitofp %convert_element_type3A_109 : vector<256x128xi32> to vector<256x128xf32>
    %reduce_sum3A_111 = arith.constant dense<0.000000e+00> : vector<256xf32>
    %reduce_sum3A_112 = vector.multi_reduction <add>, %convert_element_type3A_110, %reduce_sum3A_111 [1] : vector<256x128xf32> to vector<256xf32>
    %broadcast_in_dim3A_113 = vector.shape_cast %reduce_sum3A_112 : vector<256xf32> to vector<256x1xf32>
    %dot_general3A_114 = arith.constant dense<0.000000e+00> : vector<32x1xf32>
    %dot_general3A_115 = tpu.matmul %convert_element_type3A_5, %broadcast_in_dim3A_113, %dot_general3A_114 {dimension_numbers = #tpu.dot_dimension_numbers<[1], [0], [0], [1], [0, 0, 1, 1], [], []>, transpose_lhs_hint = false} : vector<32x256xf32>, vector<256x1xf32>, vector<32x1xf32> -> vector<32x1xf32>
    %swap3A_116 = arith.constant 0 : index
    %swap3A_117 = arith.constant 8 : index
    %swap3A_118 = vector.load %arg3[%swap3A_116, %swap3A_117] : memref<32x16xf32, #tpu.memory_space<vmem>>, vector<32x1xf32>
    tpu.vector_store %arg3[%swap3A_116, %swap3A_117], %dot_general3A_115 {strides = array<i32>} : memref<32x16xf32, #tpu.memory_space<vmem>>, vector<32x1xf32>,
    %eq3A_119 = arith.constant 9 : i32
    %eq3A_120 = vector.broadcast %eq3A_119 : i32 to vector<256x128xi32>
    %eq3A_121 = arith.cmpi eq, %get3A_1, %eq3A_120 : vector<256x128xi32>
    %convert_element_type3A_122 = arith.extui %eq3A_121 : vector<256x128xi1> to vector<256x128xi32>
    %convert_element_type3A_123 = arith.sitofp %convert_element_type3A_122 : vector<256x128xi32> to vector<256x128xf32>
    %reduce_sum3A_124 = arith.constant dense<0.000000e+00> : vector<256xf32>
    %reduce_sum3A_125 = vector.multi_reduction <add>, %convert_element_type3A_123, %reduce_sum3A_124 [1] : vector<256x128xf32> to vector<256xf32>
    %broadcast_in_dim3A_126 = vector.shape_cast %reduce_sum3A_125 : vector<256xf32> to vector<256x1xf32>
    %dot_general3A_127 = arith.constant dense<0.000000e+00> : vector<32x1xf32>
    %dot_general3A_128 = tpu.matmul %convert_element_type3A_5, %broadcast_in_dim3A_126, %dot_general3A_127 {dimension_numbers = #tpu.dot_dimension_numbers<[1], [0], [0], [1], [0, 0, 1, 1], [], []>, transpose_lhs_hint = false} : vector<32x256xf32>, vector<256x1xf32>, vector<32x1xf32> -> vector<32x1xf32>
    %swap3A_129 = arith.constant 0 : index
    %swap3A_130 = arith.constant 9 : index
    %swap3A_131 = vector.load %arg3[%swap3A_129, %swap3A_130] : memref<32x16xf32, #tpu.memory_space<vmem>>, vector<32x1xf32>
    tpu.vector_store %arg3[%swap3A_129, %swap3A_130], %dot_general3A_128 {strides = array<i32>} : memref<32x16xf32, #tpu.memory_space<vmem>>, vector<32x1xf32>,
    %eq3A_132 = arith.constant 10 : i32
    %eq3A_133 = vector.broadcast %eq3A_132 : i32 to vector<256x128xi32>
    %eq3A_134 = arith.cmpi eq, %get3A_1, %eq3A_133 : vector<256x128xi32>
    %convert_element_type3A_135 = arith.extui %eq3A_134 : vector<256x128xi1> to vector<256x128xi32>
    %convert_element_type3A_136 = arith.sitofp %convert_element_type3A_135 : vector<256x128xi32> to vector<256x128xf32>
    %reduce_sum3A_137 = arith.constant dense<0.000000e+00> : vector<256xf32>
    %reduce_sum3A_138 = vector.multi_reduction <add>, %convert_element_type3A_136, %reduce_sum3A_137 [1] : vector<256x128xf32> to vector<256xf32>
    %broadcast_in_dim3A_139 = vector.shape_cast %reduce_sum3A_138 : vector<256xf32> to vector<256x1xf32>
    %dot_general3A_140 = arith.constant dense<0.000000e+00> : vector<32x1xf32>
    %dot_general3A_141 = tpu.matmul %convert_element_type3A_5, %broadcast_in_dim3A_139, %dot_general3A_140 {dimension_numbers = #tpu.dot_dimension_numbers<[1], [0], [0], [1], [0, 0, 1, 1], [], []>, transpose_lhs_hint = false} : vector<32x256xf32>, vector<256x1xf32>, vector<32x1xf32> -> vector<32x1xf32>
    %swap3A_142 = arith.constant 0 : index
    %swap3A_143 = arith.constant 10 : index
    %swap3A_144 = vector.load %arg3[%swap3A_142, %swap3A_143] : memref<32x16xf32, #tpu.memory_space<vmem>>, vector<32x1xf32>
    tpu.vector_store %arg3[%swap3A_142, %swap3A_143], %dot_general3A_141 {strides = array<i32>} : memref<32x16xf32, #tpu.memory_space<vmem>>, vector<32x1xf32>,
    %eq3A_145 = arith.constant 11 : i32
    %eq3A_146 = vector.broadcast %eq3A_145 : i32 to vector<256x128xi32>
    %eq3A_147 = arith.cmpi eq, %get3A_1, %eq3A_146 : vector<256x128xi32>
    %convert_element_type3A_148 = arith.extui %eq3A_147 : vector<256x128xi1> to vector<256x128xi32>
    %convert_element_type3A_149 = arith.sitofp %convert_element_type3A_148 : vector<256x128xi32> to vector<256x128xf32>
    %reduce_sum3A_150 = arith.constant dense<0.000000e+00> : vector<256xf32>
    %reduce_sum3A_151 = vector.multi_reduction <add>, %convert_element_type3A_149, %reduce_sum3A_150 [1] : vector<256x128xf32> to vector<256xf32>
    %broadcast_in_dim3A_152 = vector.shape_cast %reduce_sum3A_151 : vector<256xf32> to vector<256x1xf32>
    %dot_general3A_153 = arith.constant dense<0.000000e+00> : vector<32x1xf32>
    %dot_general3A_154 = tpu.matmul %convert_element_type3A_5, %broadcast_in_dim3A_152, %dot_general3A_153 {dimension_numbers = #tpu.dot_dimension_numbers<[1], [0], [0], [1], [0, 0, 1, 1], [], []>, transpose_lhs_hint = false} : vector<32x256xf32>, vector<256x1xf32>, vector<32x1xf32> -> vector<32x1xf32>
    %swap3A_155 = arith.constant 0 : index
    %swap3A_156 = arith.constant 11 : index
    %swap3A_157 = vector.load %arg3[%swap3A_155, %swap3A_156] : memref<32x16xf32, #tpu.memory_space<vmem>>, vector<32x1xf32>
    tpu.vector_store %arg3[%swap3A_155, %swap3A_156], %dot_general3A_154 {strides = array<i32>} : memref<32x16xf32, #tpu.memory_space<vmem>>, vector<32x1xf32>,
    %eq3A_158 = arith.constant 12 : i32
    %eq3A_159 = vector.broadcast %eq3A_158 : i32 to vector<256x128xi32>
    %eq3A_160 = arith.cmpi eq, %get3A_1, %eq3A_159 : vector<256x128xi32>
    %convert_element_type3A_161 = arith.extui %eq3A_160 : vector<256x128xi1> to vector<256x128xi32>
    %convert_element_type3A_162 = arith.sitofp %convert_element_type3A_161 : vector<256x128xi32> to vector<256x128xf32>
    %reduce_sum3A_163 = arith.constant dense<0.000000e+00> : vector<256xf32>
    %reduce_sum3A_164 = vector.multi_reduction <add>, %convert_element_type3A_162, %reduce_sum3A_163 [1] : vector<256x128xf32> to vector<256xf32>
    %broadcast_in_dim3A_165 = vector.shape_cast %reduce_sum3A_164 : vector<256xf32> to vector<256x1xf32>
    %dot_general3A_166 = arith.constant dense<0.000000e+00> : vector<32x1xf32>
    %dot_general3A_167 = tpu.matmul %convert_element_type3A_5, %broadcast_in_dim3A_165, %dot_general3A_166 {dimension_numbers = #tpu.dot_dimension_numbers<[1], [0], [0], [1], [0, 0, 1, 1], [], []>, transpose_lhs_hint = false} : vector<32x256xf32>, vector<256x1xf32>, vector<32x1xf32> -> vector<32x1xf32>
    %swap3A_168 = arith.constant 0 : index
    %swap3A_169 = arith.constant 12 : index
    %swap3A_170 = vector.load %arg3[%swap3A_168, %swap3A_169] : memref<32x16xf32, #tpu.memory_space<vmem>>, vector<32x1xf32>
    tpu.vector_store %arg3[%swap3A_168, %swap3A_169], %dot_general3A_167 {strides = array<i32>} : memref<32x16xf32, #tpu.memory_space<vmem>>, vector<32x1xf32>,
    %eq3A_171 = arith.constant 13 : i32
    %eq3A_172 = vector.broadcast %eq3A_171 : i32 to vector<256x128xi32>
    %eq3A_173 = arith.cmpi eq, %get3A_1, %eq3A_172 : vector<256x128xi32>
    %convert_element_type3A_174 = arith.extui %eq3A_173 : vector<256x128xi1> to vector<256x128xi32>
    %convert_element_type3A_175 = arith.sitofp %convert_element_type3A_174 : vector<256x128xi32> to vector<256x128xf32>
    %reduce_sum3A_176 = arith.constant dense<0.000000e+00> : vector<256xf32>
    %reduce_sum3A_177 = vector.multi_reduction <add>, %convert_element_type3A_175, %reduce_sum3A_176 [1] : vector<256x128xf32> to vector<256xf32>
    %broadcast_in_dim3A_178 = vector.shape_cast %reduce_sum3A_177 : vector<256xf32> to vector<256x1xf32>
    %dot_general3A_179 = arith.constant dense<0.000000e+00> : vector<32x1xf32>
    %dot_general3A_180 = tpu.matmul %convert_element_type3A_5, %broadcast_in_dim3A_178, %dot_general3A_179 {dimension_numbers = #tpu.dot_dimension_numbers<[1], [0], [0], [1], [0, 0, 1, 1], [], []>, transpose_lhs_hint = false} : vector<32x256xf32>, vector<256x1xf32>, vector<32x1xf32> -> vector<32x1xf32>
    %swap3A_181 = arith.constant 0 : index
    %swap3A_182 = arith.constant 13 : index
    %swap3A_183 = vector.load %arg3[%swap3A_181, %swap3A_182] : memref<32x16xf32, #tpu.memory_space<vmem>>, vector<32x1xf32>
    tpu.vector_store %arg3[%swap3A_181, %swap3A_182], %dot_general3A_180 {strides = array<i32>} : memref<32x16xf32, #tpu.memory_space<vmem>>, vector<32x1xf32>,
    %eq3A_184 = arith.constant 14 : i32
    %eq3A_185 = vector.broadcast %eq3A_184 : i32 to vector<256x128xi32>
    %eq3A_186 = arith.cmpi eq, %get3A_1, %eq3A_185 : vector<256x128xi32>
    %convert_element_type3A_187 = arith.extui %eq3A_186 : vector<256x128xi1> to vector<256x128xi32>
    %convert_element_type3A_188 = arith.sitofp %convert_element_type3A_187 : vector<256x128xi32> to vector<256x128xf32>
    %reduce_sum3A_189 = arith.constant dense<0.000000e+00> : vector<256xf32>
    %reduce_sum3A_190 = vector.multi_reduction <add>, %convert_element_type3A_188, %reduce_sum3A_189 [1] : vector<256x128xf32> to vector<256xf32>
    %broadcast_in_dim3A_191 = vector.shape_cast %reduce_sum3A_190 : vector<256xf32> to vector<256x1xf32>
    %dot_general3A_192 = arith.constant dense<0.000000e+00> : vector<32x1xf32>
    %dot_general3A_193 = tpu.matmul %convert_element_type3A_5, %broadcast_in_dim3A_191, %dot_general3A_192 {dimension_numbers = #tpu.dot_dimension_numbers<[1], [0], [0], [1], [0, 0, 1, 1], [], []>, transpose_lhs_hint = false} : vector<32x256xf32>, vector<256x1xf32>, vector<32x1xf32> -> vector<32x1xf32>
    %swap3A_194 = arith.constant 0 : index
    %swap3A_195 = arith.constant 14 : index
    %swap3A_196 = vector.load %arg3[%swap3A_194, %swap3A_195] : memref<32x16xf32, #tpu.memory_space<vmem>>, vector<32x1xf32>
    tpu.vector_store %arg3[%swap3A_194, %swap3A_195], %dot_general3A_193 {strides = array<i32>} : memref<32x16xf32, #tpu.memory_space<vmem>>, vector<32x1xf32>,
    %eq3A_197 = arith.constant 15 : i32
    %eq3A_198 = vector.broadcast %eq3A_197 : i32 to vector<256x128xi32>
    %eq3A_199 = arith.cmpi eq, %get3A_1, %eq3A_198 : vector<256x128xi32>
    %convert_element_type3A_200 = arith.extui %eq3A_199 : vector<256x128xi1> to vector<256x128xi32>
    %convert_element_type3A_201 = arith.sitofp %convert_element_type3A_200 : vector<256x128xi32> to vector<256x128xf32>
    %reduce_sum3A_202 = arith.constant dense<0.000000e+00> : vector<256xf32>
    %reduce_sum3A_203 = vector.multi_reduction <add>, %convert_element_type3A_201, %reduce_sum3A_202 [1] : vector<256x128xf32> to vector<256xf32>
    %broadcast_in_dim3A_204 = vector.shape_cast %reduce_sum3A_203 : vector<256xf32> to vector<256x1xf32>
    %dot_general3A_205 = arith.constant dense<0.000000e+00> : vector<32x1xf32>
    %dot_general3A_206 = tpu.matmul %convert_element_type3A_5, %broadcast_in_dim3A_204, %dot_general3A_205 {dimension_numbers = #tpu.dot_dimension_numbers<[1], [0], [0], [1], [0, 0, 1, 1], [], []>, transpose_lhs_hint = false} : vector<32x256xf32>, vector<256x1xf32>, vector<32x1xf32> -> vector<32x1xf32>
    %swap3A_207 = arith.constant 0 : index
    %swap3A_208 = arith.constant 15 : index
    %swap3A_209 = vector.load %arg3[%swap3A_207, %swap3A_208] : memref<32x16xf32, #tpu.memory_space<vmem>>, vector<32x1xf32>
    tpu.vector_store %arg3[%swap3A_207, %swap3A_208], %dot_general3A_206 {strides = array<i32>} : memref<32x16xf32, #tpu.memory_space<vmem>>, vector<32x1xf32>,
    %get3A_210 = arith.constant 0 : index
    %get3A_211 = arith.constant 0 : index
    %get3A_212 = vector.load %arg3[%get3A_210, %get3A_211] : memref<32x16xf32, #tpu.memory_space<vmem>>, vector<32x16xf32>
    %reduce_sum3A_213 = arith.constant dense<0.000000e+00> : vector<16xf32>
    %reduce_sum3A_214 = vector.multi_reduction <add>, %get3A_212, %reduce_sum3A_213 [0] : vector<32x16xf32> to vector<16xf32>
    %broadcast_in_dim3A_215 = vector.shape_cast %reduce_sum3A_214 : vector<16xf32> to vector<1x16xf32>
    %swap3A_216 = arith.constant 0 : index
    %swap3A_217 = arith.constant 0 : index
    %swap3A_218 = vector.load %arg2[%swap3A_216, %swap3A_217] : memref<1x16xf32, #tpu.memory_space<vmem>>, vector<1x16xf32>
    tpu.vector_store %arg2[%swap3A_216, %swap3A_217], %broadcast_in_dim3A_215 {strides = array<i32>} : memref<1x16xf32, #tpu.memory_space<vmem>>, vector<1x16xf32>,
    %iota3A_219 = tpu.iota {dimensions = array<i32: 0>} : vector<16x16xi32>
    %iota3A_220 = tpu.iota {dimensions = array<i32: 1>} : vector<16x16xi32>
    %lt3A = arith.cmpi slt, %iota3A_219, %iota3A_220 : vector<16x16xi32>
    %convert_element_type3A_221 = arith.extui %lt3A : vector<16x16xi1> to vector<16x16xi32>
    %convert_element_type3A_222 = arith.sitofp %convert_element_type3A_221 : vector<16x16xi32> to vector<16x16xf32>
    %dot_general3A_223 = arith.constant dense<0.000000e+00> : vector<1x16xf32>
    %dot_general3A_224 = tpu.matmul %broadcast_in_dim3A_215, %convert_element_type3A_222, %dot_general3A_223 {dimension_numbers = #tpu.dot_dimension_numbers<[1], [0], [0], [1], [0, 0, 1, 1], [], []>, precision = #tpu.contract_precision<fp32>, transpose_lhs_hint = false} : vector<1x16xf32>, vector<16x16xf32>, vector<1x16xf32> -> vector<1x16xf32>
    %iota3A_225 = tpu.iota {dimensions = array<i32: 0>} : vector<32x32xi32>
    %iota3A_226 = tpu.iota {dimensions = array<i32: 1>} : vector<32x32xi32>
    %lt3A_227 = arith.cmpi slt, %iota3A_226, %iota3A_225 : vector<32x32xi32>
    %convert_element_type3A_228 = arith.extui %lt3A_227 : vector<32x32xi1> to vector<32x32xi32>
    %convert_element_type3A_229 = arith.sitofp %convert_element_type3A_228 : vector<32x32xi32> to vector<32x32xf32>
    %dot_general3A_230 = arith.constant dense<0.000000e+00> : vector<32x16xf32>
    %dot_general3A_231 = tpu.matmul %convert_element_type3A_229, %get3A_212, %dot_general3A_230 {dimension_numbers = #tpu.dot_dimension_numbers<[1], [0], [0], [1], [0, 0, 1, 1], [], []>, precision = #tpu.contract_precision<fp32>, transpose_lhs_hint = false} : vector<32x32xf32>, vector<32x16xf32>, vector<32x16xf32> -> vector<32x16xf32>
    %add3A = vector.broadcast %dot_general3A_224 : vector<1x16xf32> to vector<32x16xf32>
    %add3A_232 = arith.addf %dot_general3A_231, %add3A : vector<32x16xf32>
    %swap3A_233 = arith.constant 0 : index
    %swap3A_234 = arith.constant 0 : index
    %swap3A_235 = vector.load %arg1[%swap3A_233, %swap3A_234] : memref<32x128xf32, #tpu.memory_space<vmem>>, vector<32x16xf32>
    tpu.vector_store %arg1[%swap3A_233, %swap3A_234], %add3A_232 {strides = array<i32>} : memref<32x128xf32, #tpu.memory_space<vmem>>, vector<32x16xf32>,
    return
  }
}

module attributes {stable_mosaic.version = 14 : i64} {
  func.func @_merge_body(%arg0: memref<256x128xf32, #tpu.memory_space<vmem>>, %arg1: memref<256x128xf32, #tpu.memory_space<vmem>>, %arg2: memref<256x128xi32, #tpu.memory_space<vmem>>, %arg3: memref<256x128xi32, #tpu.memory_space<vmem>>, %arg4: memref<256x128xf32, #tpu.memory_space<vmem>>, %arg5: memref<256x128xi32, #tpu.memory_space<vmem>>) attributes {dimension_semantics = [], scalar_prefetch = 0 : i64, scratch_operands = 0 : i64, tpu.core_type = #tpu.core_type<tc>} {
    %get3A = arith.constant 0 : index
    %get3A_0 = arith.constant 0 : index
    %get3A_1 = vector.load %arg0[%get3A, %get3A_0] : memref<256x128xf32, #tpu.memory_space<vmem>>, vector<256x128xf32>
    %get3A_2 = arith.constant 0 : index
    %get3A_3 = arith.constant 0 : index
    %get3A_4 = vector.load %arg1[%get3A_2, %get3A_3] : memref<256x128xf32, #tpu.memory_space<vmem>>, vector<256x128xf32>
    %add3A = arith.addf %get3A_1, %get3A_4 : vector<256x128xf32>
    %swap3A = arith.constant 0 : index
    %swap3A_5 = arith.constant 0 : index
    %swap3A_6 = vector.load %arg4[%swap3A, %swap3A_5] : memref<256x128xf32, #tpu.memory_space<vmem>>, vector<256x128xf32>
    tpu.vector_store %arg4[%swap3A, %swap3A_5], %add3A {strides = array<i32>} : memref<256x128xf32, #tpu.memory_space<vmem>>, vector<256x128xf32>,
    %get3A_7 = arith.constant 0 : index
    %get3A_8 = arith.constant 0 : index
    %get3A_9 = vector.load %arg2[%get3A_7, %get3A_8] : memref<256x128xi32, #tpu.memory_space<vmem>>, vector<256x128xi32>
    %get3A_10 = arith.constant 0 : index
    %get3A_11 = arith.constant 0 : index
    %get3A_12 = vector.load %arg3[%get3A_10, %get3A_11] : memref<256x128xi32, #tpu.memory_space<vmem>>, vector<256x128xi32>
    %add3A_13 = arith.addi %get3A_9, %get3A_12 : vector<256x128xi32>
    %swap3A_14 = arith.constant 0 : index
    %swap3A_15 = arith.constant 0 : index
    %swap3A_16 = vector.load %arg5[%swap3A_14, %swap3A_15] : memref<256x128xi32, #tpu.memory_space<vmem>>, vector<256x128xi32>
    tpu.vector_store %arg5[%swap3A_14, %swap3A_15], %add3A_13 {strides = array<i32>} : memref<256x128xi32, #tpu.memory_space<vmem>>, vector<256x128xi32>,
    return
  }
}

</mosaic_0001>

<sc_bundles>
// kernel: kernel.5.cloned.1.call-start
scs
__scs_entry_jumppad:
0x0: {  	(pc) =	sbr.rel $0x88, $3  }
0x1: {  	(tag) =	ssettag $0x0;
	lr =	simm.s32 $0x1  }
0x2: {  	[smem:$0x3F9F] =	sst lr;
	_ =	strace $0xD0000000  }
0x3: {  	_ = 	snop  }
0x4: {  	_ = 	snop  }
0x5: {  	_ = 	snop  }
0x6: {  	_ = 	snop  }
0x7: {  	_ = 	snop  }
__scs_overlays_trampoline_lowered:
0x8: {  	[smem:$0x3FAE] =	sst s0  }
0x9: {  	[smem:$0x3FAF] =	sst s1  }
0xa: {  	[smem:$0x3FB0] =	sst s2  }
0xb: {  	[smem:$0x3FB1] =	sst s3  }
0xc: {  	[smem:$0x3FB2] =	sst s4  }
0xd: {  	[smem:$0x3FB3] =	sst s5  }
0xe: {  	[smem:$0x3FB4] =	sst s6  }
0xf: {  	[smem:$0x3FB5] =	sst s7  }
0x10: {  	[smem:$0x3FB6] =	sst s8  }
0x11: {  	[smem:$0x3FB7] =	sst s9;
	s0 =	simm.s32 @!p0 $0x0  }
0x12: {  	s1 =	sld [smem:$0x3F9D];
	s0 =	simm.s32 @p0 $0x1  }
0x13: {  	[smem:$0x3FB8] =	sst s0;
	s0 =	simm.s32 @!p1 $0x0  }
0x14: {  	s2 =	sld [smem:$0x3F9C];
	s0 =	simm.s32 @p1 $0x1  }
0x15: {  	[smem:$0x3FB9] =	sst s0;
	s0 =	simm.s32 @!p2 $0x0  }
0x16: {  	s3 =	sld [smem:$0x3FDB];
	s0 =	simm.s32 @p2 $0x1  }
0x17: {  	s4 =	simm.s32 $0x1BF5;
	[smem:$0x3FBB] =	sst s0  }
0x18: {  	s0 =	sld [smem:$0x3F9E];
	_ =	swait.ge [sflag:s4], $0x0  }
0x19: {  	s7 =	sld [smem:$0x3F9F]  }
0x1a: {  	s8 =	sadd.s32 $0xFFFFE003, lr  }
0x1b: {  	s9 =	sadd.s32 $0xFFFFFEF7, lr;
	s5 =	simm.s32 $0xFFFFFFFF;
	p2 =	slt.u32 s8, $0xFFFFF086  }
0x1c: {  	p1 =	slt.u32 s9, $0xF7A;
	s5 =	simm.s32 @!p2 $0x0  }
0x1d: {  	s5 =	simm.s32 @p1 $0x1;
	p0 =	seq.s32 s7, s2  }
0x1e: {  	s7 =	smul.u32 @!p0 $0xF7A, s2;
	p2 =	seq.s32 @!p0 s5, $0x0  }
0x1f: {  	s9 =	smul.u32 $0xF7A, s1;
	s8 =	simm.s32 @!p0 $0x1BF5;
	p2 =	por !p2, p0  }
0x20: {  	[sflag:s8] =	ssyncset.s32 @!p0 $0xFFFFF086;
	s6 =	sadd.s32 @!p0 s3, s7;
	s7 =	simm.s32 @!p0 $0x108  }
0x21: {  	s3 =	sadd.s32 s3, s9;
	s6 =	sadd.s32 @!p0 $0x88, s6;
	s7 =	simm.s32 @p2 $0x1082  }
0x22: {  	[simem:s7], [sflag:s8] =	dma.local @!p0 [hbm:s6], $0xF7A  }
0x23: {  	s9 =	sor.u32 $0xD0000000, s2;
	s6 =	simm.s32 $0x108;
	_ =	swait.ge @!p0 [sflag:s8], $0x0  }
0x24: {  	s3 =	sadd.s32 $0x88, s3;
	s6 =	simm.s32 @!p1 $0x1082;
	[sflag:s4] =	ssyncset.s32 $0xFFFFF086  }
0x25: {  	[simem:s6], [sflag:s4] =	dma.local [hbm:s3], $0xF7A  }
0x26: {  	[smem:$0x3F9F] =	sst s1;
	(tag) =	ssettag s2;
	_ =	strace s9  }
0x27: {  	s1 =	sld [smem:$0x3FAF]  }
0x28: {  	s2 =	sld [smem:$0x3FB0]  }
0x29: {  	s4 =	sld [smem:$0x3FB2]  }
0x2a: {  	p0 =	seq.s32 s5, $0x0;
	s5 =	sld [smem:$0x3FB3]  }
0x2b: {  	s6 =	sld [smem:$0x3FB4]  }
0x2c: {  	s7 =	sld [smem:$0x3FB5]  }
0x2d: {  	s3 =	simm.s32 $0x108;
	s8 =	sld [smem:$0x3FB6]  }
0x2e: {  	s3 =	simm.s32 @!p0 $0x1082;
	s9 =	sld [smem:$0x3FB7]  }
0x2f: {  	lr =	sadd.s32 s0, s3;
	s0 =	sld [smem:$0x3FAE]  }
0x30: {  	s3 =	sld [smem:$0x3FB1]  }
0x31: {  	[smem:$0x3FBA] =	sst s10  }
0x32: {  	s10 =	sld [smem:$0x3FB8];
	_ =	sdelay $0x3  }
0x33: {  	p0 =	seq.s32 s10, $0x1;
	s10 =	sld [smem:$0x3FBA];
	_ =	sdelay $0x3  }
0x34: {  	[smem:$0x3FBA] =	sst s10  }
0x35: {  	s10 =	sld [smem:$0x3FB9];
	_ =	sdelay $0x3  }
0x36: {  	p1 =	seq.s32 s10, $0x1;
	s10 =	sld [smem:$0x3FBA];
	_ =	sdelay $0x3  }
0x37: {  	[smem:$0x3FBA] =	sst s10  }
0x38: {  	s10 =	sld [smem:$0x3FBB]  }
0x39: {  	_ = 	snop;
	(pc) =	sbr.ind lr, $3  }
0x3a: {  	_ = 	snop  }
0x3b: {  	_ = 	snop  }
0x3c: {  	p2 =	seq.s32 s10, $0x1;
	s10 =	sld [smem:$0x3FBA]  }
0x3d: {  	_ =	shalt  }
0x3e: {  	_ =	shalt  }
0x3f: {  	_ =	shalt  }
0x40: {  	_ =	shalt  }
0x41: {  	_ =	shalt  }
0x42: {  	_ =	shalt  }
0x43: {  	_ =	shalt  }
0x44: {  	_ =	shalt  }
0x45: {  	_ =	shalt  }
0x46: {  	_ =	shalt  }
0x47: {  	_ =	shalt  }
0x48: {  	_ =	shalt  }
0x49: {  	_ =	shalt  }
0x4a: {  	_ =	shalt  }
0x4b: {  	_ =	shalt  }
0x4c: {  	_ =	shalt  }
0x4d: {  	_ =	shalt  }
0x4e: {  	_ =	shalt  }
0x4f: {  	_ =	shalt  }
0x50: {  	_ =	shalt  }
0x51: {  	_ =	shalt  }
0x52: {  	_ =	shalt  }
0x53: {  	_ =	shalt  }
0x54: {  	_ =	shalt  }
0x55: {  	_ =	shalt  }
0x56: {  	_ =	shalt  }
0x57: {  	_ =	shalt  }
0x58: {  	_ =	shalt  }
0x59: {  	_ =	shalt  }
0x5a: {  	_ =	shalt  }
0x5b: {  	_ =	shalt  }
0x5c: {  	_ =	shalt  }
0x5d: {  	_ =	shalt  }
0x5e: {  	_ =	shalt  }
0x5f: {  	_ =	shalt  }
0x60: {  	_ =	shalt  }
0x61: {  	_ =	shalt  }
0x62: {  	_ =	shalt  }
0x63: {  	_ =	shalt  }
0x64: {  	_ =	shalt  }
0x65: {  	_ =	shalt  }
0x66: {  	_ =	shalt  }
0x67: {  	_ =	shalt  }
0x68: {  	_ =	shalt  }
0x69: {  	_ =	shalt  }
0x6a: {  	_ =	shalt  }
0x6b: {  	_ =	shalt  }
0x6c: {  	_ =	shalt  }
0x6d: {  	_ =	shalt  }
0x6e: {  	_ =	shalt  }
0x6f: {  	_ =	shalt  }
0x70: {  	_ =	shalt  }
0x71: {  	_ =	shalt  }
0x72: {  	_ =	shalt  }
0x73: {  	_ =	shalt  }
0x74: {  	_ =	shalt  }
0x75: {  	_ =	shalt  }
0x76: {  	_ =	shalt  }
0x77: {  	_ =	shalt  }
0x78: {  	_ =	shalt  }
0x79: {  	_ =	shalt  }
0x7a: {  	_ =	shalt  }
0x7b: {  	_ =	shalt  }
0x7c: {  	_ =	shalt  }
0x7d: {  	_ =	shalt  }
0x7e: {  	_ =	shalt  }
0x7f: {  	_ =	shalt  }
0x80: {  	_ =	shalt  }
0x81: {  	_ =	shalt  }
0x82: {  	_ =	shalt  }
0x83: {  	_ =	shalt  }
0x84: {  	_ =	shalt  }
0x85: {  	_ =	shalt  }
0x86: {  	_ =	shalt  }
0x87: {  	_ =	shalt  }
.Lfunc_end0:
.L_simem_size_0:
called_computation_lowered:
.L_overlay_start_0:
0x88: {  	s2 =	sld [smem:$0x3FD9]  }
0x89: {  	s3 =	sld [smem:$0x3FFE];
	_ =	sdelay $0x1  }
0x8a: {  	s1 =	srdreg.scid  }
0x8b: {  	s0 =	sand.u32 $0x1, s1  }
0x8c: {  	s14 =	sshll.u32 s0, $0xA;
	s2 =	sadd.s32 s3, s2  }
0x8d: {  	s2 =	sadd.s32 s2, s14  }
0x8e: {  	[smem:$0x3FC6] =	sst s2  }
0x8f: {  	_ = 	snop  }
0x90: {  	s2 =	sld [smem:$0x3FD0];
	_ =	sdelay $0x1  }
0x91: {  	s15 =	sld [smem:$0x3FC9]  }
0x92: {  	s5 =	simm.s32 $0xA;
	s6 =	simm.s32 $0x10;
	s4 =	sld [smem:$0x3FC8]  }
0x93: {  	[smem:s6], [sflag:s5] =	dma.local [hbm:s2], $0x1  }
0x94: {  	_ =	swait.eq [sflag:s5], $0x1  }
0x95: {  	[sflag:s5] =	ssyncset.done $0x0  }
0x96: {  	s16 =	sld [smem:$0x10];
	[sflag:s5] =	ssyncadd.s32 $0xFFFFFFFF  }
0x97: {  	s17 =	sld [smem:$0x11];
	(tm) =	ssettm $0x1  }
0x98: {  	s18 =	sld [smem:$0x3FFB];
	_ =	sdelay $0x3  }
0x99: {  	_ =	strace s18  }
0x9a: {  	s6 =	sld [smem:$0x3FFC];
	_ =	sdelay $0x3  }
0x9b: {  	_ =	strace s6  }
0x9c: {  	s6 =	sld [smem:$0x3FFD];
	_ =	sdelay $0x3  }
0x9d: {  	_ =	strace s6  }
0x9e: {  	_ =	strace $0x8FFFFFFF  }
0x9f: {  	s19 =	sld [smem:$0x3FDB];
	_ =	sdelay $0x1  }
0xa0: {  	s7 =	simm.s32 $_scs_section_size  }
0xa1: {  	s8 =	simm.s32 $_size__tile_overlayer_lowered;
	s9 =	simm.s32 $_tile_overlayer_lowered  }
0xa2: {  	s22 =	simm.s32 $0x1BFF;
	s21 =	sshll.u32 s9, $0x1;
	s6 =	sadd.s32 s7, s19  }
0xa3: {  	s10 =	simm.s32 $0x0;
	s20 =	sshll.u32 s8, $0x1;
	s8 =	sadd.s32 s21, s6  }
0xa4: {  	[timem:s10], [sflag:s22] =	dma.local [hbm:s8], s20  }
0xa5: {  	_ =	swait.ge [sflag:s22], s20  }
0xa6: {  	s7 =	ssub.s32 $0x0, s20;
	[sflag:s22] =	ssyncset.done $0x0  }
0xa7: {  	[sflag:s22] =	ssyncadd.s32 s7;
	_ =	sdelay $0x1  }
0xa8: {  	s23 =	simm.s32 $0x1B8B  }
0xa9: {  	_ =	swait.ge [sflag:s23], $0x1  }
0xaa: {  	[sflag:s23] =	ssyncset.done $0x0  }
0xab: {  	s25 =	simm.s32 $0x1B8E;
	s24 =	sld [smem:$0x3FFE];
	[sflag:s23] =	ssyncadd.s32 $0xFFFFFFFF  }
0xac: {  	s26 =	simm.s32 $execute0_lowered;
	[smem:$0x3FD2] =	sst s25  }
0xad: {  	s8 =	sshll.u32 s26, $0x1;
	_ =	strace $0x80000046;
	[dreg:$0x1] =	wrdreg $0xFFFFFFFF  }
0xae: {  	s28 =	simm.s32 $_size_execute0_lowered;
	s6 =	sadd.s32 s6, s8;
	[dreg:$0x0] =	wrdreg $0x0  }
0xaf: {  	s8 =	sshll.u32 s28, $0x1;
	[dreg:$0x2] =	wrdreg s6  }
0xb0: {  	[dreg:$0x3] =	wrdreg s8  }
0xb1: {  	[dreg:$0x4] =	wrdreg $0xC0  }
0xb2: {  	_ =	task [dreg:s10], $0x5FFFF  }
0xb3: {  	[dreg:$0x1] =	wrdreg $0xFFFFFFFF  }
0xb4: {  	[dreg:$0x0] =	wrdreg $0x60  }
0xb5: {  	[dreg:$0x2] =	wrdreg s4  }
0xb6: {  	[dreg:$0x3] =	wrdreg s15  }
0xb7: {  	[dreg:$0x4] =	wrdreg s24  }
0xb8: {  	[dreg:$0x5] =	wrdreg s17  }
0xb9: {  	[dreg:$0x6] =	wrdreg s16  }
0xba: {  	[dreg:$0x7] =	wrdreg $0x15800  }
0xbb: {  	[dreg:$0x8] =	wrdreg $0x1D800  }
0xbc: {  	[dreg:$0x9] =	wrdreg $0x9  }
0xbd: {  	_ =	task.clear_ibuf [dreg:s10], $0xAFFFF;
	_ =	strace $0x90000046  }
0xbe: {  	s29 =	simm.s32 $0x9;
	_ =	strace $0x80000048  }
0xbf: {  	_ =	swait.ge [sflag:s29], $0x1  }
0xc0: {  	[sflag:s29] =	ssyncadd.s32 $0xFFFFFFFF  }
0xc1: {  	_ =	strace $0x90000048  }
0xc2: {  	_ =	sfence  }
0xc3: {  	s30 =	sld [smem:$0x0];
	_ =	sdelay $0x2  }
0xc4: {  	s31 =	sshll.u32 s1, $0xD;
	s1 =	sshrl.u32 s1, $0x2  }
0xc5: {  	s3 =	sand.u32 $0x4000, s31;
	s1 =	sadd.s32 s1, s30  }
0xc6: {  	s0 =	sor.u32 s3, s0;
	s1 =	sshll.u32 s1, $0x11  }
0xc7: {  	s0 =	sor.u32 s1, s0  }
0xc8: {  	s0 =	sadd.s32 $0x8F2B, s0  }
0xc9: {  	[sflag:s0] =	ssyncadd.remote.s32 $0x1  }
0xca: {  	_ =	sfence.sel $0xFFFF  }
0xcb: {  	[dreg:$0x0] =	wrdreg $0xFFFFFFFF;
	(pc) =	sbr.abs _section_cstart, $3  }
0xcc: {  	[dreg:$0x1] =	wrdreg $0xFFFFFFFF  }
0xcd: {  	_ =	task.clear_ibuf [dreg:s10], $0x2FFFF;
	_ =	strace $0x9FFFFFFF  }
0xce: {  	(tm) =	ssettm $0x7FFFFFFF  }
0xcf: {  	_ =	shalt  }
tec
execute0_lowered:
.L_overlay_start_1:
0x0: {  	(tag) =	ssettag $0x1  }
0x1: {  	s0 =	rddreg [dreg:$0x0]  }
0x2: {  	s3 =	rddreg [dreg:$0x1]  }
0x3: {  	s5 =	rddreg [dreg:$0x2]  }
0x4: {  	s6 =	rddreg [dreg:$0x3]  }
0x5: {  	s7 =	rddreg [dreg:$0x4]  }
0x6: {  	s1 =	rddreg [dreg:$0x5]  }
0x7: {  	s2 =	rddreg [dreg:$0x6]  }
0x8: {  	s4 =	srdreg.scid;
	s16 =	stileid.u32;
	s28 =	simm.s32 $0x4  }
0x9: {  	s29 =	simm.s32 $0x80;
	s31 =	simm.s32 $0xC80;
	s30 =	simm.s32 $0xD00  }
0xa: {  	s19 =	simm.s32 $0xE80;
	s10 =	sand.u32 $0x1, s4;
	s4 =	simm.s32 $0x0  }
0xb: {  	s12 =	sadd.s32 $0x1A00, s5;
	s21 =	sshll.u32 s16, $0xB;
	s8 =	sshll.u32 s10, $0x4  }
0xc: {  	[smem:$0x7FF] =	sst s4;
	s11 =	ssub.s32 $0x2, s10;
	s23 =	sor.u32 $0x200, s21  }
0xd: {  	s25 =	sor.u32 $0x400, s21;
	p0 =	seq.s32 s10, $0x1;
	s10 =	sshll.u32 s16, $0x8  }
0xe: {  	s8 =	sor.u32 s16, s8;
	_ =	strace $0x80000047;
	s13 =	sshrl.u32 s11, $0x1  }
0xf: {  	s24 =	sadd.s32 s23, s1;
	s26 =	sadd.s32 s25, s1;
	s6 =	smov.u32 @p0 s12  }
0x10: {  	s9 =	sshll.u32 s8, $0x4;
	s11 =	ssub.s32 s11, s13;
	[dreg:$0xb] =	wrdreg s24  }
0x11: {  	s20 =	sshll.u32 s8, $0x7;
	s8 =	sshll.u32 s8, $0xA;
	[dreg:$0xd] =	wrdreg s26  }
0x12: {  	s17 =	sadd.s32 s6, s10;
	s24 =	simm.s32 $0x1000;
	s26 =	simm.s32 $0x2  }
0x13: {  	s6 =	simm.s32 $0xF80;
	s9 =	sadd.s32 s9, s5;
	s5 =	sadd.s32 $0x2A00, s5  }
0x14: {  	[dreg:$0xf] =	wrdreg s8;
	s0 =	sadd.s32 s0, s20;
	s3 =	sadd.s32 s3, s20  }
0x15: {  	s8 =	sadd.s32 s21, s1;
	s16 =	smax.u32 s11, $0x1;
	[dreg:$0x8] =	wrdreg s0  }
0x16: {  	s20 =	simm.s32 $0x400;
	s22 =	sadd.s32 $0x1800, s9;
	[dreg:$0xa] =	wrdreg s3  }
0x17: {  	s9 =	sadd.s32 s21, s2;
	s3 =	sadd.s32 s23, s2;
	s0 =	sor.u32 $0x600, s21  }
0x18: {  	s7 =	smov.u32 @p0 s5;
	s21 =	simm.s32 $0x1180;
	s13 =	rddreg [dreg:$0xf]  }
0x19: {  	v6 =	vlaneseq.u32;
	s23 =	simm.s32 $0x3;
	s5 =	simm.s32 $0xF00;
	[dreg:$0x9] =	wrdreg s22  }
0x1a: {  	v1 =	vshrl.u32 v6, $0x2;
	[dreg:$0xc] =	wrdreg s3;
	s3 =	sadd.s32 s25, s2;
	s14 =	sadd.s32 s0, s1  }
0x1b: {  	v2 =	vimm.f32 $0.0e+00;
	v1 =	vmul.u32 $0x100, v1;
	s15 =	sadd.s32 s0, s2;
	s18 =	sadd.s32 s7, s10;
	s22 =	simm.s32 $0x1380  }
0x1c: {  	v3 =	vimm.s32 $0x0;
	v4 =	vmul.u32 $0x40, v6;
	v5 =	vmul.u32 $0x2, v6;
	s25 =	simm.s32 $0xC00;
	s0 =	simm.s32 $0xD80;
	s7 =	simm.s32 $0x1  }
0x1d: {  	v6 =	vmul.u32 $0x10, v6;
	v7 =	vor.u32 $0x80, v1;
	v0 =	vmov s13;
	s10 =	simm.s32 $0x0;
	[dreg:$0xe] =	wrdreg s3;
	s3 =	simm.s32 $0xE00  }
.LBB2_1:
0x1e: {  	s11 =	rddreg [dreg:$0x8]  }
0x1f: {  	[tilespmem:s4], [sflag:$0x3] =	stream.linear.gather [hbm4b:s11+s4], $0x400, $0x38;
	[tilespmem:$0x2580] =	vst v63  }
0x20: {  	s13 =	rddreg [dreg:$0x9];
	s12 =	simm.s32 $0x1100  }
0x21: {  	[tilespmem:s12], [sflag:$0x3] =	stream.linear.gather [hbm4b:s13+s4], $0x10, $0x38;
	[tilespmem:$0x2580] =	vst v63  }
0x22: {  	s11 =	simm.s32 $0x40;
	s13 =	rddreg [dreg:$0xa];
	s12 =	simm.s32 $0x0  }
0x23: {  	[tilespmem:s20], [sflag:$0x4] =	stream.linear.gather [hbm4b:s13+s4], $0x400, $0x38;
	[tilespmem:$0x2580] =	vst v63  }
.LBB2_2:
0x24: {  	p0 =	sne.s32 s11, $0x7C0;
	[tilespmem:s12+$0x1180] =	vst v2;
	s13 =	smov.u32 s11;
	s11 =	sadd.s32 $0x40, s11  }
.Ltmp0:
0x25: {  	[tilespmem:s12+$0x1380] =	vst v3;
	(pc) =	sbr.rel @p0 .LBB2_2-.Ltmp0, $2  }
0x26: {  	_ =	sdelay $0x2  }
0x27: {  	s12 =	sshra.s32 s13, $0x2  }
0x28: {  	[tilespmem:s12+$0x1180] =	vst v2  }
0x29: {  	[tilespmem:s12+$0x1380] =	vst v3  }
0x2a: {  	[spmem:s8] =	stream.linear.scatter [tilespmem:s21], [sflag:$0x2], $0x200, $0x38;
	[tilespmem:$0x2580] =	vst v63  }
0x2b: {  	_ = 	snop  }
0x2c: {  	[spmem:s9] =	stream.linear.scatter [tilespmem:s22], [sflag:$0x2], $0x200, $0x38;
	[tilespmem:$0x2580] =	vst v63  }
0x2d: {  	s11 =	rddreg [dreg:$0xb]  }
0x2e: {  	[spmem:s11] =	stream.linear.scatter [tilespmem:s21], [sflag:$0x2], $0x200, $0x38;
	[tilespmem:$0x2580] =	vst v63  }
0x2f: {  	s12 =	rddreg [dreg:$0xc]  }
0x30: {  	[spmem:s12] =	stream.linear.scatter [tilespmem:s22], [sflag:$0x2], $0x200, $0x38;
	[tilespmem:$0x2580] =	vst v63  }
0x31: {  	s13 =	rddreg [dreg:$0xd]  }
0x32: {  	[spmem:s13] =	stream.linear.scatter [tilespmem:s21], [sflag:$0x2], $0x200, $0x38;
	[tilespmem:$0x2580] =	vst v63  }
0x33: {  	s12 =	rddreg [dreg:$0xe]  }
0x34: {  	[spmem:s12] =	stream.linear.scatter [tilespmem:s22], [sflag:$0x2], $0x200, $0x38;
	[tilespmem:$0x2580] =	vst v63  }
0x35: {  	_ = 	snop  }
0x36: {  	[spmem:s14] =	stream.linear.scatter [tilespmem:s21], [sflag:$0x2], $0x200, $0x38;
	[tilespmem:$0x2580] =	vst v63  }
0x37: {  	_ = 	snop  }
0x38: {  	[spmem:s15] =	stream.linear.scatter [tilespmem:s22], [sflag:$0x2], $0x200, $0x38;
	[tilespmem:$0x2580] =	vst v63  }
0x39: {  	_ =	swait.ge [sflag:s23], $0x400  }
0x3a: {  	[sflag:s23] =	ssyncset.done $0x0  }
0x3b: {  	[sflag:s23] =	ssyncadd.s32 $0xFFFFFC00  }
0x3c: {  	_ =	swait.ge [sflag:s23], $0x10  }
0x3d: {  	[sflag:s23] =	ssyncset.done $0x0  }
0x3e: {  	[sflag:s23] =	ssyncadd.s32 $0xFFFFFFF0  }
0x3f: {  	[tilespmem:$0x1000] =	vst v3  }
0x40: {  	[tilespmem:$0x1010] =	vst v3  }
0x41: {  	[tilespmem:$0x1020] =	vst v3  }
0x42: {  	[tilespmem:$0x1030] =	vst v3  }
0x43: {  	[tilespmem:$0x1040] =	vst v3  }
0x44: {  	[tilespmem:$0x1050] =	vst v3  }
0x45: {  	s13 =	simm.s32 $0x0;
	[tilespmem:$0x1060] =	vst v3  }
0x46: {  	v8 =	vmov s13;
	v9 =	vor.u32 s13, v4;
	[tilespmem:$0x1070] =	vst v3  }
0x47: {  	v10 =	vshll.u32 v8, $0x7;
	v9 =	vshrl.u32 v9, $0x1;
	[tilespmem:$0x1080] =	vst v3  }
0x48: {  	v10 =	vand.u32 $0x80, v10;
	v9 =	vand.u32 $0x7F, v9;
	[tilespmem:$0x1090] =	vst v3  }
0x49: {  	v9 =	vor.u32 v9, v10;
	[tilespmem:$0x10A0] =	vst v3  }
0x4a: {  	v9 =	vor.u32 v1, v9;
	[tilespmem:$0x10B0] =	vst v3  }
0x4b: {  	[tilespmem:$0x10C0] =	vst v3  }
0x4c: {  	[tilespmem:$0x10D0] =	vst v3  }
0x4d: {  	[tilespmem:$0x10E0] =	vst v3  }
0x4e: {  	[tilespmem:$0x10F0] =	vst v3  }
0x4f: {  	v9 =	vld.idx.msk [tilespmem:v9+s4+$0x0], $0xffff;
	_ =	sdelay $0x4  }
0x50: {  	v9 =	vadd.s32 v6, v9;
	_ =	sdelay $0x2  }
0x51: {  	s12 =	simm.s32 $0x1  }
0x52: {  	v11 =	vor.u32 s12, v4;
	v10 =	vmov s12  }
0x53: {  	v11 =	vshrl.u32 v11, $0x1;
	v10 =	vshll.u32 v10, $0x7;
	v12 =	vld.idx.msk [tilespmem:v9+s24+$0x0], $0xffff  }
0x54: {  	v13 =	vand.u32 $0x300, v8;
	v11 =	vand.u32 $0x7F, v11;
	v10 =	vand.u32 $0x80, v10  }
0x55: {  	v8 =	vshll.u32 v8, $0x1;
	v10 =	vor.u32 v11, v10;
	v11 =	vor.u32 v0, v13  }
0x56: {  	v8 =	vor.u32 v5, v8;
	v10 =	vor.u32 v1, v10;
	v11 =	vbroadcast v11, $0x0  }
0x57: {  	v8 =	vand.u32 $0xFE, v8  }
0x58: {  	v8 =	vor.u32 v8, v11;
	v12 =	vadd.s32 $0x1, v12  }
0x59: {  	s11 =	simm.s32 $0x800;
	v8 =	vshrl.u32 v8, $0x1;
	[tilespmem:v9+s24+$0x0] =	vst.idx.msk $0xffff, v12  }
0x5a: {  	[tilespmem:s11+$0x0] =	vst v8  }
0x5b: {  	v8 =	vld.idx.msk [tilespmem:v10+s4+$0x0], $0xffff;
	_ =	sdelay $0x4  }
0x5c: {  	v8 =	vadd.s32 v6, v8;
	_ =	sdelay $0x2  }
0x5d: {  	s13 =	simm.s32 $0x2  }
0x5e: {  	s12 =	simm.s32 $0x10;
	v12 =	vor.u32 s13, v4;
	v10 =	vmov s13  }
0x5f: {  	v12 =	vshrl.u32 v12, $0x1;
	s13 =	simm.s32 $0x3;
	v11 =	vshll.u32 v10, $0x7;
	v10 =	vmov s12;
	v9 =	vld.idx.msk [tilespmem:v8+s24+$0x0], $0xffff  }
.LBB2_4:
0x60: {  	p0 =	sne.s32 s13, $0x3F;
	v11 =	vand.u32 $0x80, v11;
	v12 =	vand.u32 $0x7F, v12;
	v13 =	vand.u32 $0x300, v10  }
0x61: {  	v10 =	vshll.u32 v10, $0x1;
	v11 =	vor.u32 v12, v11;
	v12 =	vor.u32 v0, v13  }
0x62: {  	v10 =	vor.u32 v5, v10;
	v11 =	vor.u32 v1, v11;
	v12 =	vbroadcast v12, $0x0  }
0x63: {  	v10 =	vand.u32 $0xFE, v10  }
0x64: {  	v9 =	vadd.s32 $0x1, v9;
	v10 =	vor.u32 v10, v12  }
0x65: {  	s11 =	sadd.s32 $0x10, s11;
	[tilespmem:v8+s24+$0x0] =	vst.idx.msk $0xffff, v9;
	v8 =	vshrl.u32 v10, $0x1  }
0x66: {  	[tilespmem:s11+$0x0] =	vst v8  }
0x67: {  	v8 =	vld.idx.msk [tilespmem:v11+s4+$0x0], $0xffff;
	_ =	sdelay $0x5  }
0x68: {  	v8 =	vadd.s32 v6, v8;
	_ =	sdelay $0x1  }
.Ltmp1:
0x69: {  	(pc) =	sbr.rel @p0 .LBB2_4-.Ltmp1, $3  }
0x6a: {  	_ =	sdelay $0x1  }
0x6b: {  	s12 =	sadd.s32 $0x10, s12;
	v12 =	vor.u32 s13, v4;
	v10 =	vmov s13;
	v9 =	vld.idx.msk [tilespmem:v8+s24+$0x0], $0xffff  }
0x6c: {  	v12 =	vshrl.u32 v12, $0x1;
	s13 =	sadd.s32 $0x1, s13;
	v11 =	vshll.u32 v10, $0x7;
	v10 =	vmov s12  }
0x6d: {  	v11 =	vand.u32 $0x80, v11;
	v12 =	vand.u32 $0x7F, v12;
	v13 =	vand.u32 $0x300, v10  }
0x6e: {  	v10 =	vshll.u32 v10, $0x1;
	v11 =	vor.u32 v12, v11;
	v54 =	vor.u32 v0, v13  }
0x6f: {  	v10 =	vor.u32 v5, v10;
	v11 =	vor.u32 v1, v11;
	v12 =	vbroadcast v54, $0x0  }
0x70: {  	v10 =	vand.u32 $0xFE, v10  }
0x71: {  	v9 =	vadd.s32 $0x1, v9;
	v10 =	vor.u32 v10, v12  }
0x72: {  	s11 =	sadd.s32 $0x10, s11;
	[tilespmem:v8+s24+$0x0] =	vst.idx.msk $0xffff, v9;
	v8 =	vshrl.u32 v10, $0x1  }
0x73: {  	[tilespmem:s11+$0x0] =	vst v8  }
0x74: {  	v8 =	vld.idx.msk [tilespmem:v11+s4+$0x0], $0xffff;
	_ =	sdelay $0x4  }
0x75: {  	v8 =	vadd.s32 v6, v8;
	_ =	sdelay $0x3  }
0x76: {  	s12 =	sadd.s32 $0x10, s12  }
0x77: {  	v10 =	vmov s12;
	v9 =	vld.idx.msk [tilespmem:v8+s24+$0x0], $0xffff  }
0x78: {  	v11 =	vand.u32 $0x300, v10  }
0x79: {  	v10 =	vshll.u32 v10, $0x1;
	v11 =	vor.u32 v0, v11  }
0x7a: {  	v10 =	vor.u32 v5, v10;
	v11 =	vbroadcast v11, $0x0  }
0x7b: {  	v10 =	vand.u32 $0xFE, v10  }
0x7c: {  	v10 =	vor.u32 v10, v11;
	v9 =	vadd.s32 $0x1, v9  }
0x7d: {  	s11 =	sadd.s32 $0x10, s11;
	[tilespmem:v8+s24+$0x0] =	vst.idx.msk $0xffff, v9;
	v8 =	vshrl.u32 v10, $0x1  }
0x7e: {  	[tilespmem:s11+$0x0] =	vst v8  }
0x7f: {  	v8 =	vld [tilespmem:$0x1100];
	_ =	sdelay $0x2  }
0x80: {  	v9 =	vld [tilespmem:$0x1000]  }
0x81: {  	v10 =	vld [tilespmem:$0x1010]  }
0x82: {  	v11 =	vld [tilespmem:$0x1020];
	v8 =	vtrunc.f32 v8  }
0x83: {  	v55 =	vld [tilespmem:$0x1030];
	v8 =	vcvt.f32.s32 v8  }
0x84: {  	v56 =	vld [tilespmem:$0x1040]  }
0x85: {  	[tilespmem:$0x1000] =	vst v8;
	v8 =	vadd.s32 v8, v9;
	v9 =	vld [tilespmem:$0x1050]  }
0x86: {  	[tilespmem:$0x1010] =	vst v8;
	v8 =	vadd.s32 v8, v10;
	v10 =	vld [tilespmem:$0x1060]  }
0x87: {  	[tilespmem:$0x1020] =	vst v8;
	v8 =	vadd.s32 v8, v11;
	v11 =	vld [tilespmem:$0x1070]  }
0x88: {  	v57 =	vld [tilespmem:$0x1080];
	[tilespmem:$0x1030] =	vst v8;
	v8 =	vadd.s32 v8, v55  }
0x89: {  	v58 =	vld [tilespmem:$0x1090];
	[tilespmem:$0x1040] =	vst v8;
	v8 =	vadd.s32 v8, v56  }
0x8a: {  	[tilespmem:$0x1050] =	vst v8;
	v8 =	vadd.s32 v8, v9;
	v9 =	vld [tilespmem:$0x10A0]  }
0x8b: {  	[tilespmem:$0x1060] =	vst v8;
	v8 =	vadd.s32 v8, v10;
	v10 =	vld [tilespmem:$0x10B0]  }
0x8c: {  	s12 =	simm.s32 $0x0;
	[tilespmem:$0x1070] =	vst v8;
	v8 =	vadd.s32 v8, v11;
	v11 =	vld [tilespmem:$0x10C0]  }
0x8d: {  	v14 =	vor.u32 s12, v4;
	v59 =	vld [tilespmem:$0x10D0];
	[tilespmem:$0x1080] =	vst v8;
	v8 =	vadd.s32 v8, v57  }
0x8e: {  	v14 =	vshrl.u32 v14, $0x1;
	v60 =	vld [tilespmem:$0x10E0];
	[tilespmem:$0x1090] =	vst v8;
	v8 =	vadd.s32 v8, v58  }
0x8f: {  	[tilespmem:$0x10A0] =	vst v8;
	v8 =	vadd.s32 v8, v9;
	v9 =	vand.u32 $0x7F, v14  }
0x90: {  	[tilespmem:$0x10B0] =	vst v8;
	v8 =	vadd.s32 v8, v10;
	v10 =	vor.u32 v1, v9  }
0x91: {  	[tilespmem:$0x10C0] =	vst v8;
	v8 =	vadd.s32 v8, v11  }
0x92: {  	[tilespmem:$0x10D0] =	vst v8;
	v8 =	vadd.s32 v8, v59  }
0x93: {  	[tilespmem:$0x10E0] =	vst v8;
	v8 =	vadd.s32 v8, v60  }
0x94: {  	[tilespmem:$0x10F0] =	vst v8  }
0x95: {  	v8 =	vld.idx.msk [tilespmem:v10+s4+$0x0], $0xffff;
	_ =	sdelay $0x4  }
0x96: {  	v11 =	vadd.s32 v6, v8;
	_ =	sdelay $0x4  }
0x97: {  	v61 =	vld.idx.msk [tilespmem:v11+s24+$0x0], $0xffff;
	_ =	sdelay $0x2  }
0x98: {  	v8 =	vor.u32 v7, v9;
	_ =	sdelay $0x1  }
0x99: {  	v9 =	vadd.s32 $0x1, v61  }
0x9a: {  	[tilespmem:v11+s24+$0x0] =	vst.idx.msk $0xffff, v9  }
0x9b: {  	[tilespmem:v10+s25+$0x0] =	vst.idx.msk $0xffff, v61  }
0x9c: {  	v9 =	vld.idx.msk [tilespmem:v8+s4+$0x0], $0xffff;
	_ =	sdelay $0x4  }
0x9d: {  	v62 =	vadd.s32 v6, v9;
	_ =	sdelay $0x3  }
0x9e: {  	s13 =	simm.s32 $0x2  }
0x9f: {  	v9 =	vor.u32 s13, v4;
	v11 =	vld.idx.msk [tilespmem:v62+s24+$0x0], $0xffff  }
0xa0: {  	v9 =	vshrl.u32 v9, $0x1  }
0xa1: {  	v10 =	vand.u32 $0x7F, v9  }
0xa2: {  	v9 =	vor.u32 v1, v10;
	_ =	sdelay $0x1  }
0xa3: {  	v63 =	vadd.s32 $0x1, v11  }
0xa4: {  	s11 =	simm.s32 $0x4;
	[tilespmem:v62+s24+$0x0] =	vst.idx.msk $0xffff, v63  }
.LBB2_6:
0xa5: {  	p0 =	sne.s32 s11, $0x3E;
	[tilespmem:v8+s25+$0x0] =	vst.idx.msk $0xffff, v11;
	s12 =	smov.u32 s11;
	s11 =	sadd.s32 $0x2, s11  }
0xa6: {  	v8 =	vld.idx.msk [tilespmem:v9+s4+$0x0], $0xffff;
	_ =	sdelay $0x5  }
0xa7: {  	v11 =	vadd.s32 v6, v8;
	_ =	sdelay $0x4  }
0xa8: {  	v12 =	vld.idx.msk [tilespmem:v11+s24+$0x0], $0xffff;
	_ =	sdelay $0x3  }
0xa9: {  	v8 =	vor.u32 v7, v10;
	_ =	sdelay $0x1  }
0xaa: {  	v10 =	vadd.s32 $0x1, v12  }
0xab: {  	[tilespmem:v11+s24+$0x0] =	vst.idx.msk $0xffff, v10  }
0xac: {  	[tilespmem:v9+s25+$0x0] =	vst.idx.msk $0xffff, v12  }
0xad: {  	v9 =	vld.idx.msk [tilespmem:v8+s4+$0x0], $0xffff;
	_ =	sdelay $0x5  }
0xae: {  	v12 =	vadd.s32 v6, v9;
	_ =	sdelay $0x4  }
0xaf: {  	v11 =	vld.idx.msk [tilespmem:v12+s24+$0x0], $0xffff  }
0xb0: {  	v9 =	vor.u32 s12, v4  }
0xb1: {  	v9 =	vshrl.u32 v9, $0x1  }
.Ltmp2:
0xb2: {  	v10 =	vand.u32 $0x7F, v9;
	(pc) =	sbr.rel @p0 .LBB2_6-.Ltmp2, $3  }
0xb3: {  	v9 =	vor.u32 v1, v10;
	_ =	sdelay $0x1  }
0xb4: {  	v13 =	vadd.s32 $0x1, v11  }
0xb5: {  	[tilespmem:v12+s24+$0x0] =	vst.idx.msk $0xffff, v13  }
0xb6: {  	_ =	sdelay $0x3  }
0xb7: {  	[tilespmem:v8+s25+$0x0] =	vst.idx.msk $0xffff, v11  }
0xb8: {  	v8 =	vld.idx.msk [tilespmem:v9+s4+$0x0], $0xffff;
	_ =	sdelay $0x4  }
0xb9: {  	v8 =	vadd.s32 v6, v8;
	_ =	sdelay $0x4  }
0xba: {  	v11 =	vld.idx.msk [tilespmem:v8+s24+$0x0], $0xffff;
	_ =	sdelay $0x2  }
0xbb: {  	v10 =	vor.u32 v7, v10;
	_ =	sdelay $0x1  }
0xbc: {  	v12 =	vadd.s32 $0x1, v11  }
0xbd: {  	[tilespmem:v8+s24+$0x0] =	vst.idx.msk $0xffff, v12  }
0xbe: {  	[tilespmem:v9+s25+$0x0] =	vst.idx.msk $0xffff, v11  }
0xbf: {  	v8 =	vld.idx.msk [tilespmem:v10+s4+$0x0], $0xffff;
	_ =	sdelay $0x4  }
0xc0: {  	v8 =	vadd.s32 v6, v8;
	_ =	sdelay $0x4  }
0xc1: {  	v9 =	vld.idx.msk [tilespmem:v8+s24+$0x0], $0xffff;
	_ =	sdelay $0x4  }
0xc2: {  	v63 =	vadd.s32 $0x1, v9  }
0xc3: {  	[tilespmem:v8+s24+$0x0] =	vst.idx.msk $0xffff, v63  }
0xc4: {  	[tilespmem:v10+s25+$0x0] =	vst.idx.msk $0xffff, v9  }
0xc5: {  	_ =	swait.ge [sflag:s26], $0x200  }
0xc6: {  	[sflag:s26] =	ssyncset.done $0x0  }
0xc7: {  	[sflag:s26] =	ssyncadd.s32 $0xFFFFFE00  }
0xc8: {  	_ =	swait.ge [sflag:s26], $0x200  }
0xc9: {  	[sflag:s26] =	ssyncset.done $0x0  }
0xca: {  	[sflag:s26] =	ssyncadd.s32 $0xFFFFFE00  }
0xcb: {  	_ =	swait.ge [sflag:s26], $0x200  }
0xcc: {  	[sflag:s26] =	ssyncset.done $0x0  }
0xcd: {  	[sflag:s26] =	ssyncadd.s32 $0xFFFFFE00  }
0xce: {  	_ =	swait.ge [sflag:s26], $0x200  }
0xcf: {  	[sflag:s26] =	ssyncset.done $0x0  }
0xd0: {  	[sflag:s26] =	ssyncadd.s32 $0xFFFFFE00  }
0xd1: {  	_ =	swait.ge [sflag:s26], $0x200  }
0xd2: {  	[sflag:s26] =	ssyncset.done $0x0  }
0xd3: {  	[sflag:s26] =	ssyncadd.s32 $0xFFFFFE00  }
0xd4: {  	_ =	swait.ge [sflag:s26], $0x200  }
0xd5: {  	[sflag:s26] =	ssyncset.done $0x0  }
0xd6: {  	[sflag:s26] =	ssyncadd.s32 $0xFFFFFE00  }
0xd7: {  	_ =	swait.ge [sflag:s26], $0x200  }
0xd8: {  	[sflag:s26] =	ssyncset.done $0x0  }
0xd9: {  	[sflag:s26] =	ssyncadd.s32 $0xFFFFFE00  }
0xda: {  	_ =	swait.ge [sflag:s26], $0x200  }
0xdb: {  	[sflag:s26] =	ssyncset.done $0x0  }
0xdc: {  	[sflag:s26] =	ssyncadd.s32 $0xFFFFFE00  }
0xdd: {  	_ =	swait.ge [sflag:s28], $0x400  }
0xde: {  	[sflag:s28] =	ssyncset.done $0x0  }
0xdf: {  	[sflag:s28] =	ssyncadd.s32 $0xFFFFFC00  }
0xe0: {  	[bflag:$0x0] =	sbarrier.arrive $0xFFFF  }
0xe1: {  	[spmem:s1] =	stream.indirect.scatter.add.f32 [tilespmem:s20], [sflag:$0x1], $0x1, s25, s29, $0xb8;
	[tilespmem:$0x2580] =	vst v63  }
0xe2: {  	s11 =	simm.s32 $0x800  }
0xe3: {  	[spmem:s2] =	stream.indirect.scatter.add.s32 [tilespmem:s11], [sflag:$0x1], $0x1, s25, s29, $0xb8;
	[tilespmem:$0x2580] =	vst v63  }
0xe4: {  	s12 =	simm.s32 $0x480  }
0xe5: {  	[spmem:s1] =	stream.indirect.scatter.add.f32 [tilespmem:s12], [sflag:$0x1], $0x1, s31, s29, $0xb8;
	[tilespmem:$0x2580] =	vst v63  }
0xe6: {  	s13 =	simm.s32 $0x880  }
0xe7: {  	[spmem:s2] =	stream.indirect.scatter.add.s32 [tilespmem:s13], [sflag:$0x1], $0x1, s31, s29, $0xb8;
	[tilespmem:$0x2580] =	vst v63  }
0xe8: {  	s12 =	simm.s32 $0x500  }
0xe9: {  	[spmem:s1] =	stream.indirect.scatter.add.f32 [tilespmem:s12], [sflag:$0x1], $0x1, s30, s29, $0xb8;
	[tilespmem:$0x2580] =	vst v63  }
0xea: {  	s13 =	simm.s32 $0x900  }
0xeb: {  	[spmem:s2] =	stream.indirect.scatter.add.s32 [tilespmem:s13], [sflag:$0x1], $0x1, s30, s29, $0xb8;
	[tilespmem:$0x2580] =	vst v63  }
0xec: {  	s12 =	simm.s32 $0x580  }
0xed: {  	[spmem:s1] =	stream.indirect.scatter.add.f32 [tilespmem:s12], [sflag:$0x1], $0x1, s0, s29, $0xb8;
	[tilespmem:$0x2580] =	vst v63  }
0xee: {  	s13 =	simm.s32 $0x980  }
0xef: {  	[spmem:s2] =	stream.indirect.scatter.add.s32 [tilespmem:s13], [sflag:$0x1], $0x1, s0, s29, $0xb8;
	[tilespmem:$0x2580] =	vst v63  }
0xf0: {  	s12 =	simm.s32 $0x600  }
0xf1: {  	[spmem:s1] =	stream.indirect.scatter.add.f32 [tilespmem:s12], [sflag:$0x1], $0x1, s3, s29, $0xb8;
	[tilespmem:$0x2580] =	vst v63  }
0xf2: {  	s13 =	simm.s32 $0xA00  }
0xf3: {  	[spmem:s2] =	stream.indirect.scatter.add.s32 [tilespmem:s13], [sflag:$0x1], $0x1, s3, s29, $0xb8;
	[tilespmem:$0x2580] =	vst v63  }
0xf4: {  	s12 =	simm.s32 $0x680  }
0xf5: {  	[spmem:s1] =	stream.indirect.scatter.add.f32 [tilespmem:s12], [sflag:$0x1], $0x1, s19, s29, $0xb8;
	[tilespmem:$0x2580] =	vst v63  }
0xf6: {  	s13 =	simm.s32 $0xA80  }
0xf7: {  	[spmem:s2] =	stream.indirect.scatter.add.s32 [tilespmem:s13], [sflag:$0x1], $0x1, s19, s29, $0xb8;
	[tilespmem:$0x2580] =	vst v63  }
0xf8: {  	s12 =	simm.s32 $0x700  }
0xf9: {  	[spmem:s1] =	stream.indirect.scatter.add.f32 [tilespmem:s12], [sflag:$0x1], $0x1, s5, s29, $0xb8;
	[tilespmem:$0x2580] =	vst v63  }
0xfa: {  	s13 =	simm.s32 $0xB00  }
0xfb: {  	[spmem:s2] =	stream.indirect.scatter.add.s32 [tilespmem:s13], [sflag:$0x1], $0x1, s5, s29, $0xb8;
	[tilespmem:$0x2580] =	vst v63  }
0xfc: {  	s12 =	simm.s32 $0x780  }
0xfd: {  	[spmem:s1] =	stream.indirect.scatter.add.f32 [tilespmem:s12], [sflag:$0x1], $0x1, s6, s29, $0xb8;
	[tilespmem:$0x2580] =	vst v63  }
0xfe: {  	s13 =	simm.s32 $0xB80  }
0xff: {  	[spmem:s2] =	stream.indirect.scatter.add.s32 [tilespmem:s13], [sflag:$0x1], $0x1, s6, s29, $0xb8;
	[tilespmem:$0x2580] =	vst v63  }
0x100: {  	_ =	swait.ge [sflag:s7], $0x80  }
0x101: {  	[sflag:s7] =	ssyncset.done $0x0  }
0x102: {  	[sflag:s7] =	ssyncadd.s32 $0xFFFFFF80  }
0x103: {  	_ =	swait.ge [sflag:s7], $0x80  }
0x104: {  	[sflag:s7] =	ssyncset.done $0x0  }
0x105: {  	[sflag:s7] =	ssyncadd.s32 $0xFFFFFF80  }
0x106: {  	_ =	swait.ge [sflag:s7], $0x80  }
0x107: {  	[sflag:s7] =	ssyncset.done $0x0  }
0x108: {  	[sflag:s7] =	ssyncadd.s32 $0xFFFFFF80  }
0x109: {  	_ =	swait.ge [sflag:s7], $0x80  }
0x10a: {  	[sflag:s7] =	ssyncset.done $0x0  }
0x10b: {  	[sflag:s7] =	ssyncadd.s32 $0xFFFFFF80  }
0x10c: {  	_ =	swait.ge [sflag:s7], $0x80  }
0x10d: {  	[sflag:s7] =	ssyncset.done $0x0  }
0x10e: {  	[sflag:s7] =	ssyncadd.s32 $0xFFFFFF80  }
0x10f: {  	_ =	swait.ge [sflag:s7], $0x80  }
0x110: {  	[sflag:s7] =	ssyncset.done $0x0  }
0x111: {  	[sflag:s7] =	ssyncadd.s32 $0xFFFFFF80  }
0x112: {  	_ =	swait.ge [sflag:s7], $0x80  }
0x113: {  	[sflag:s7] =	ssyncset.done $0x0  }
0x114: {  	[sflag:s7] =	ssyncadd.s32 $0xFFFFFF80  }
0x115: {  	_ =	swait.ge [sflag:s7], $0x80  }
0x116: {  	[sflag:s7] =	ssyncset.done $0x0  }
0x117: {  	[sflag:s7] =	ssyncadd.s32 $0xFFFFFF80  }
0x118: {  	_ =	swait.ge [sflag:s7], $0x80  }
0x119: {  	[sflag:s7] =	ssyncset.done $0x0  }
0x11a: {  	[sflag:s7] =	ssyncadd.s32 $0xFFFFFF80  }
0x11b: {  	_ =	swait.ge [sflag:s7], $0x80  }
0x11c: {  	[sflag:s7] =	ssyncset.done $0x0  }
0x11d: {  	[sflag:s7] =	ssyncadd.s32 $0xFFFFFF80  }
0x11e: {  	_ =	swait.ge [sflag:s7], $0x80  }
0x11f: {  	[sflag:s7] =	ssyncset.done $0x0  }
0x120: {  	[sflag:s7] =	ssyncadd.s32 $0xFFFFFF80  }
0x121: {  	_ =	swait.ge [sflag:s7], $0x80  }
0x122: {  	[sflag:s7] =	ssyncset.done $0x0  }
0x123: {  	[sflag:s7] =	ssyncadd.s32 $0xFFFFFF80  }
0x124: {  	_ =	swait.ge [sflag:s7], $0x80  }
0x125: {  	[sflag:s7] =	ssyncset.done $0x0  }
0x126: {  	[sflag:s7] =	ssyncadd.s32 $0xFFFFFF80  }
0x127: {  	_ =	swait.ge [sflag:s7], $0x80  }
0x128: {  	[sflag:s7] =	ssyncset.done $0x0  }
0x129: {  	[sflag:s7] =	ssyncadd.s32 $0xFFFFFF80  }
0x12a: {  	_ =	swait.ge [sflag:s7], $0x80  }
0x12b: {  	[sflag:s7] =	ssyncset.done $0x0  }
0x12c: {  	[sflag:s7] =	ssyncadd.s32 $0xFFFFFF80  }
0x12d: {  	_ =	swait.ge [sflag:s7], $0x80  }
0x12e: {  	s12 =	stileid.u32;
	[sflag:s7] =	ssyncset.done $0x0  }
0x12f: {  	s11 =	sshll.u32 s12, $0x6;
	[sflag:s7] =	ssyncadd.s32 $0xFFFFFF80  }
0x130: {  	s12 =	sor.u32 $0x1C03, s11;
	s13 =	sshrl.u32 s8, $0x3;
	[bflag:$0x0] =	sbarrier.arrive $0xFFFF  }
0x131: {  	[hbm:s17], [sflag:s12] =	dma.local [spmem:s13], $0x100  }
0x132: {  	s10 =	sadd.s32 $0x1, s10;
	s11 =	sor.u32 $0x1C04, s11;
	s13 =	sshrl.u32 s9, $0x3  }
0x133: {  	[hbm:s18], [sflag:s11] =	dma.local [spmem:s13], $0x100  }
0x134: {  	p0 =	sne.s32 s10, s16;
	_ =	swait.ge [sflag:s23], $0x100  }
.Ltmp3:
0x135: {  	[sflag:s23] =	ssyncset.done $0x0;
	(pc) =	sbr.rel @p0 .LBB2_1-.Ltmp3, $4  }
0x136: {  	[sflag:s23] =	ssyncadd.s32 $0xFFFFFF00  }
0x137: {  	_ =	swait.ge [sflag:s28], $0x100  }
0x138: {  	[sflag:s28] =	ssyncset.done $0x0  }
0x139: {  	[sflag:s28] =	ssyncadd.s32 $0xFFFFFF00  }
0x13a: {  	_ =	sfence.sel $0x180000  }
0x13b: {  	[bflag:$0x0] =	sbarrier.arrive $0xFFFF  }
0x13c: {  	_ =	strace $0x90000047  }
0x13d: {  	s0 =	stileid.u32;
	[bflag:$0x2] =	sbarrier.arrive $0xFFFF  }
0x13e: {  	p0 =	sne.s32 s0, $0x0;
	s0 =	rddreg [dreg:$0x7]  }
0x13f: {  	s0 =	sadd.s32 @!p0 $0x100000, s0  }
0x140: {  	[sflag:s0] =	ssyncadd.tile.s32 @!p0 $0x1;
	_ =	shalt  }
.Lfunc_end2:
_tile_overlayer_lowered:
.L_overlay_start_2:
0x141: {  	(tag) =	ssettag $0x2  }
0x142: {  	s0 =	rddreg [dreg:$0x0];
	s2 =	stileid.u32  }
0x143: {  	s1 =	rddreg [dreg:$0x1];
	p0 =	sne.s32 s2, $0x0  }
0x144: {  	s3 =	rddreg [dreg:$0x2];
	[bflag:$0x3] =	sbarrier.arrive $0xFFFF;
	s2 =	simm.s32 @!p0 $0x1C05  }
0x145: {  	[timem:s3], [sflag:s2] =	dma.local @!p0 [hbm:s0], s1  }
0x146: {  	s0 =	simm.s32 @!p0 $0x5  }
0x147: {  	_ =	swait.ge @!p0 [sflag:s0], s1  }
0x148: {  	s1 =	ssub.s32 @!p0 $0x0, s1;
	[sflag:s0] =	ssyncset.done @!p0 $0x0  }
0x149: {  	[sflag:s0] =	ssyncadd.s32 @!p0 s1  }
0x14a: {  	[bflag:$0x3] =	sbarrier.arrive $0xFFFF  }
0x14b: {  	_ =	shalt  }

</sc_bundles>
